<compile_context>
chip_gen: v7x
topology: tpu7x:2x2x1
jax: 0.10.2.dev20260603
libtpu: 0.0.44.dev20260713+nightly
codegen_flags: <defaults>
</compile_context>

<pallas_src>
import functools

import jax
import jax.numpy as jnp
from jax import lax
from jax.experimental import pallas as pl
from jax.experimental.pallas import tpu as pltpu
from jax.experimental.pallas import tpu_sc as plsc

N_DIM = 32
N_RATINGS = 5
N_HID = 15
B = 16384
N_USERS = 1000000
N_ITEMS = 100000

_NC = 2
_NS = 16
_NW = _NC * _NS
_BPW = B // _NW
_GSUB = 256
_CHUNK = 16384
_P = _CHUNK // 4


def _tdot(x, e):
    return lax.dot_general(x, e, (((0,), (0,)), ((), ())),
                           preferred_element_type=jnp.float32)


def _pack_body(embT_ref, intT_ref, w1x_ref, bsel_ref, out_ref):
    xe = embT_ref[...].astype(jnp.bfloat16)
    xi = intT_ref[...].astype(jnp.bfloat16)
    w1x = w1x_ref[...].astype(jnp.bfloat16)
    bs = bsel_ref[...].astype(jnp.bfloat16)
    pieces = []
    for w in range(4):
        sl = slice(w * _P, (w + 1) * _P)
        y = _tdot(xe[:, sl], w1x) + _tdot(xi[:, sl], bs)
        pieces.append(pltpu.bitcast(y.astype(jnp.bfloat16), jnp.float32))
    out_ref[...] = jnp.concatenate(pieces, axis=1)


def _pack(embT, intT, w1x, bsel, n):
    g = (n + _CHUNK - 1) // _CHUNK
    return pl.pallas_call(
        _pack_body,
        out_shape=jax.ShapeDtypeStruct((g * (_P // 2), 128), jnp.float32),
        grid=(g,),
        in_specs=[
            pl.BlockSpec((N_DIM, _CHUNK), lambda i: (0, i)),
            pl.BlockSpec((N_RATINGS, _CHUNK), lambda i: (0, i)),
            pl.BlockSpec((N_DIM, 32), lambda i: (0, 0)),
            pl.BlockSpec((N_RATINGS, 32), lambda i: (0, 0)),
        ],
        out_specs=pl.BlockSpec((_P // 2, 128), lambda i: (i, 0)),
    )(embT, intT, w1x, bsel)


def _sc_gather_body(users_hbm, items_hbm, pu_hbm, pi_hbm,
                    rawu_out, rawi_out,
                    idxu_v, idxi_v, rowu_v, rowi_v, gu_v, gi_v,
                    sem0, sem1):
    wid = lax.axis_index("s") * _NC + lax.axis_index("c")
    base = wid * _BPW
    pltpu.sync_copy(users_hbm.at[pl.ds(base, _BPW)], idxu_v)
    pltpu.sync_copy(items_hbm.at[pl.ds(base, _BPW)], idxi_v)
    for k in range(_BPW // 16):
        sl = pl.ds(16 * k, 16)
        iu = idxu_v[sl]
        ii = idxi_v[sl]
        rowu_v[sl] = ((iu >> 14) << 11) + ((iu & 4095) >> 1)
        rowi_v[sl] = ((ii >> 14) << 11) + ((ii & 4095) >> 1)
    for s in range(_BPW // _GSUB):
        sl = pl.ds(s * _GSUB, _GSUB)
        c0 = pltpu.async_copy(pu_hbm.at[rowu_v.at[sl]], gu_v, sem0)
        c1 = pltpu.async_copy(pi_hbm.at[rowi_v.at[sl]], gi_v, sem1)
        out_sl = pl.ds(base + s * _GSUB, _GSUB)
        c0.wait()
        pltpu.sync_copy(gu_v, rawu_out.at[out_sl, :])
        c1.wait()
        pltpu.sync_copy(gi_v, rawi_out.at[out_sl, :])


def _sc_gather(users, items, pu, pi):
    f = functools.partial(
        pl.kernel,
        out_type=(
            jax.ShapeDtypeStruct((B, 128), jnp.float32),
            jax.ShapeDtypeStruct((B, 128), jnp.float32),
        ),
        mesh=plsc.VectorSubcoreMesh(core_axis_name="c",
                                    subcore_axis_name="s"),
        compiler_params=pltpu.CompilerParams(use_tc_tiling_on_sc=False,
                                             needs_layout_passes=False),
        scratch_types=[
            pltpu.VMEM((_BPW,), jnp.int32),
            pltpu.VMEM((_BPW,), jnp.int32),
            pltpu.VMEM((_BPW,), jnp.int32),
            pltpu.VMEM((_BPW,), jnp.int32),
            pltpu.VMEM((_GSUB, 128), jnp.float32),
            pltpu.VMEM((_GSUB, 128), jnp.float32),
            pltpu.SemaphoreType.DMA,
            pltpu.SemaphoreType.DMA,
        ],
    )(_sc_gather_body)
    return f(users, items, pu, pi)


def _tc_mlp_body(rawu_ref, rawi_ref, u_ref, i_ref,
                 b1_ref, w2_ref, b2_ref, out_ref):
    blk = rawu_ref.shape[0]
    vu = lax.bitcast_convert_type(rawu_ref[...], jnp.int32)
    vi = lax.bitcast_convert_type(rawi_ref[...], jnp.int32)
    col = lax.broadcasted_iota(jnp.int32, (blk, 128), 1)
    u = u_ref[0, :].reshape(blk, 1)
    i = i_ref[0, :].reshape(blk, 1)
    hi_mask = jnp.int32(-65536)
    bu = jnp.where((u & 1) == 1, vu & hi_mask, vu << 16)
    bi = jnp.where((i & 1) == 1, vi & hi_mask, vi << 16)
    xu = lax.bitcast_convert_type(bu, jnp.float32)
    xi = lax.bitcast_convert_type(bi, jnp.float32)
    phu = (u >> 12) & 3
    phi = (i >> 12) & 3
    xu = jnp.where((col >> 5) == phu, xu, 0.0)
    xi = jnp.where((col >> 5) == phi, xi, 0.0)
    r = lax.broadcasted_iota(jnp.int32, (128, N_HID), 1)
    sel_h = (lax.broadcasted_iota(jnp.int32, (128, N_HID), 0) % 32
             == r).astype(jnp.float32)
    j = lax.broadcasted_iota(jnp.int32, (128, N_RATINGS), 1)
    sel_s = (lax.broadcasted_iota(jnp.int32, (128, N_RATINGS), 0) % 32
             == 16 + j).astype(jnp.float32)
    hu = jnp.dot(xu, sel_h, preferred_element_type=jnp.float32)
    hi = jnp.dot(xi, sel_h, preferred_element_type=jnp.float32)
    su = jnp.dot(xu, sel_s, preferred_element_type=jnp.float32)
    si = jnp.dot(xi, sel_s, preferred_element_type=jnp.float32)
    h = jnp.maximum(hu + hi + b1_ref[...], 0.0)
    t = jnp.dot(h, w2_ref[...], preferred_element_type=jnp.float32)
    out_ref[...] = t + b2_ref[...] + su + si


def _tc_mlp(rawu, rawi, u2, i2, b1r, w2, b2r):
    blk = 2048
    grid = B // blk
    return pl.pallas_call(
        _tc_mlp_body,
        out_shape=jax.ShapeDtypeStruct((B, N_RATINGS), jnp.float32),
        grid=(grid,),
        in_specs=[
            pl.BlockSpec((blk, 128), lambda i: (i, 0)),
            pl.BlockSpec((blk, 128), lambda i: (i, 0)),
            pl.BlockSpec((1, blk), lambda i: (0, i)),
            pl.BlockSpec((1, blk), lambda i: (0, i)),
            pl.BlockSpec((1, N_HID), lambda i: (0, 0)),
            pl.BlockSpec((N_HID, N_RATINGS), lambda i: (0, 0)),
            pl.BlockSpec((1, N_RATINGS), lambda i: (0, 0)),
        ],
        out_specs=pl.BlockSpec((blk, N_RATINGS), lambda i: (i, 0)),
    )(rawu, rawi, u2, i2, b1r, w2, b2r)


def kernel(users, items, u_emb, i_emb, u_intercept, i_intercept,
           W1, b1, W2, b2):
    zpad = jnp.zeros((N_DIM, 32 - N_HID), jnp.float32)
    w1xu = jnp.concatenate([W1[:N_DIM], zpad], axis=1)
    w1xi = jnp.concatenate([W1[N_DIM:], zpad], axis=1)
    eye5 = jnp.eye(N_RATINGS, dtype=jnp.float32)
    bsel = jnp.concatenate(
        [jnp.zeros((N_RATINGS, 16), jnp.float32), eye5,
         jnp.zeros((N_RATINGS, 32 - 16 - N_RATINGS), jnp.float32)],
        axis=1)
    pu = _pack(u_emb.T, u_intercept.T, w1xu, bsel, N_USERS)
    pi = _pack(i_emb.T, i_intercept.T, w1xi, bsel, N_ITEMS)
    rawu, rawi = _sc_gather(users, items, pu, pi)
    return _tc_mlp(rawu, rawi, users.reshape(1, B), items.reshape(1, B),
                   b1.reshape(1, -1), W2, b2.reshape(1, -1))

# --- scband reference (transcript-rebuilt; emitter-appended) ---
"""Pipeline reference for scband-embedding-net-67267777789984 (READ-ONLY COPY).

The authoritative reference and input builder live on the scoring server;
editing this copy changes nothing except your own understanding.
"""

import jax, jax.numpy as jnp
import numpy as np

N_USERS = 1000000
N_ITEMS = 100000
N_RATINGS = 5
N_DIM = 32
B = 16384


def setup_inputs(seed: int = 0) -> dict:
    key = jax.random.key(seed)
    ks = jax.random.split(key, 10)
    users = jax.random.randint(ks[0], (B,), 0, N_USERS, dtype=jnp.int64 if jax.config.jax_enable_x64 else jnp.int32).astype(jnp.int32)
    items = jax.random.randint(ks[1], (B,), 0, N_ITEMS).astype(jnp.int32)
    u_emb = jax.random.normal(ks[2], (N_USERS, N_DIM), jnp.float32) * 0.02
    i_emb = jax.random.normal(ks[3], (N_ITEMS, N_DIM), jnp.float32) * 0.02
    u_intercept = jax.random.normal(ks[4], (N_USERS, N_RATINGS), jnp.float32) * 0.02
    i_intercept = jax.random.normal(ks[5], (N_ITEMS, N_RATINGS), jnp.float32) * 0.02
    W1 = jax.random.normal(ks[6], (2 * N_DIM, N_RATINGS * 3), jnp.float32) * (1.0 / np.sqrt(2 * N_DIM))
    b1 = jnp.zeros((N_RATINGS * 3,), jnp.float32)
    W2 = jax.random.normal(ks[7], (N_RATINGS * 3, N_RATINGS), jnp.float32) * (1.0 / np.sqrt(N_RATINGS * 3))
    b2 = jnp.zeros((N_RATINGS,), jnp.float32)
    return {"users": users, "items": items, "u_emb": u_emb, "i_emb": i_emb,
            "u_intercept": u_intercept, "i_intercept": i_intercept,
            "W1": W1, "b1": b1, "W2": W2, "b2": b2}


def reference(users, items, u_emb, i_emb, u_intercept, i_intercept, W1, b1, W2, b2):
    # Embedding lookups (gathers)
    ue = jnp.take(u_emb, users, axis=0)            # [B, n_dim]
    ie = jnp.take(i_emb, items, axis=0)            # [B, n_dim]
    x = jnp.concatenate([ue, ie], axis=1)          # [B, 2*n_dim]
    # transform: Linear -> ReLU -> (Dropout inactive in eval) -> Linear
    h = jnp.maximum(x @ W1 + b1, 0.0)
    t = h @ W2 + b2                                # [B, n_ratings]
    out = t + jnp.take(u_intercept, users, axis=0) + jnp.take(i_intercept, items, axis=0)
    return out

if __name__ == "__main__":
    import jax
    _d = setup_inputs()
    print(jax.jit(kernel)(*tuple(_d.values())))

</pallas_src>

<mosaic_0001>
#map = affine_map<(d0, d1) -> (0)>
#map1 = affine_map<(d0, d1) -> (0, 0)>
module attributes {stable_mosaic.version = 14 : i64} {
  func.func @_sc_gather_body(%arg0: i32, %arg1: i32, %arg2: memref<16384xi32, #tpu.memory_space<hbm>>, %arg3: memref<16384xi32, #tpu.memory_space<hbm>>, %arg4: memref<126976x128xf32, #tpu.memory_space<hbm>>, %arg5: memref<14336x128xf32, #tpu.memory_space<hbm>>, %arg6: memref<16384x128xf32, #tpu.memory_space<hbm>>, %arg7: memref<16384x128xf32, #tpu.memory_space<hbm>>, %arg8: memref<512xi32, #tpu.memory_space<vmem>>, %arg9: memref<512xi32, #tpu.memory_space<vmem>>, %arg10: memref<512xi32, #tpu.memory_space<vmem>>, %arg11: memref<512xi32, #tpu.memory_space<vmem>>, %arg12: memref<256x128xf32, #tpu.memory_space<vmem>>, %arg13: memref<256x128xf32, #tpu.memory_space<vmem>>, %arg14: memref<!tpu.dma_semaphore, #tpu.memory_space<semaphore_mem>>, %arg15: memref<!tpu.dma_semaphore, #tpu.memory_space<semaphore_mem>>) attributes {dimension_semantics = [#tpu.dimension_semantics<core_parallel>, #tpu.dimension_semantics<subcore_parallel>], iteration_bounds = array<i64: 2, 16>, scalar_prefetch = 0 : i64, scratch_operands = 8 : i64, tpu.core_type = #tpu.core_type<sc_vector_subcore>, window_params = [{transform_indices = #map}, {transform_indices = #map}, {transform_indices = #map1}, {transform_indices = #map1}, {transform_indices = #map1}, {transform_indices = #map1}]} {
    %mul3A = arith.constant 2 : i32
    %mul3A_0 = arith.muli %arg1, %mul3A : i32
    %add3A = arith.addi %mul3A_0, %arg0 : i32
    %mul3A_1 = arith.constant 512 : i32
    %mul3A_2 = arith.muli %add3A, %mul3A_1 : i32
    "tpu.region"() ({
      %run_scoped3A = tpu.sem_alloc : memref<!tpu.dma_semaphore, #tpu.memory_space<semaphore_mem>>
      %dma_start3A_1128 = tpu.memref_slice %arg2[%mul3A_2] : memref<16384xi32, #tpu.memory_space<hbm>> -> memref<512xi32, #tpu.memory_space<hbm>>
      %dma_start3A_1129 = tpu.memref_slice %arg2[%mul3A_2] : memref<16384xi32, #tpu.memory_space<hbm>> -> memref<512xi32, #tpu.memory_space<hbm>>
      tpu.enqueue_dma source(%dma_start3A_1129 : memref<512xi32, #tpu.memory_space<hbm>>) target(%arg8 : memref<512xi32, #tpu.memory_space<vmem>>) target_semaphore(%run_scoped3A : memref<!tpu.dma_semaphore, #tpu.memory_space<semaphore_mem>>)
      %dma_wait3A_1130 = tpu.memref_slice %arg2[%mul3A_2] : memref<16384xi32, #tpu.memory_space<hbm>> -> memref<512xi32, #tpu.memory_space<hbm>>
      %dma_wait3A_1131 = tpu.memref_slice %arg2[%mul3A_2] : memref<16384xi32, #tpu.memory_space<hbm>> -> memref<512xi32, #tpu.memory_space<hbm>>
      tpu.wait_dma2 semaphore(%run_scoped3A : memref<!tpu.dma_semaphore, #tpu.memory_space<semaphore_mem>>) src(%dma_wait3A_1131 : memref<512xi32, #tpu.memory_space<hbm>>) dst(%arg8 : memref<512xi32, #tpu.memory_space<vmem>>)
      tpu.yield
    }) : () -> ()
    "tpu.region"() ({
      %run_scoped3A = tpu.sem_alloc : memref<!tpu.dma_semaphore, #tpu.memory_space<semaphore_mem>>
      %dma_start3A_1128 = tpu.memref_slice %arg3[%mul3A_2] : memref<16384xi32, #tpu.memory_space<hbm>> -> memref<512xi32, #tpu.memory_space<hbm>>
      %dma_start3A_1129 = tpu.memref_slice %arg3[%mul3A_2] : memref<16384xi32, #tpu.memory_space<hbm>> -> memref<512xi32, #tpu.memory_space<hbm>>
      tpu.enqueue_dma source(%dma_start3A_1129 : memref<512xi32, #tpu.memory_space<hbm>>) target(%arg9 : memref<512xi32, #tpu.memory_space<vmem>>) target_semaphore(%run_scoped3A : memref<!tpu.dma_semaphore, #tpu.memory_space<semaphore_mem>>)
      %dma_wait3A_1130 = tpu.memref_slice %arg3[%mul3A_2] : memref<16384xi32, #tpu.memory_space<hbm>> -> memref<512xi32, #tpu.memory_space<hbm>>
      %dma_wait3A_1131 = tpu.memref_slice %arg3[%mul3A_2] : memref<16384xi32, #tpu.memory_space<hbm>> -> memref<512xi32, #tpu.memory_space<hbm>>
      tpu.wait_dma2 semaphore(%run_scoped3A : memref<!tpu.dma_semaphore, #tpu.memory_space<semaphore_mem>>) src(%dma_wait3A_1131 : memref<512xi32, #tpu.memory_space<hbm>>) dst(%arg9 : memref<512xi32, #tpu.memory_space<vmem>>)
      tpu.yield
    }) : () -> ()
    %get3A = arith.constant 0 : index
    %get3A_3 = tpu.vector_load %arg8[%get3A] {strides = array<i32>} : memref<512xi32, #tpu.memory_space<vmem>>, vector<16xi32>,
    %get3A_4 = arith.constant 0 : index
    %get3A_5 = tpu.vector_load %arg9[%get3A_4] {strides = array<i32>} : memref<512xi32, #tpu.memory_space<vmem>>, vector<16xi32>,
    %shift_right_arithmetic3A = arith.constant 14 : i32
    %shift_right_arithmetic3A_6 = vector.broadcast %shift_right_arithmetic3A : i32 to vector<16xi32>
    %shift_right_arithmetic3A_7 = arith.shrsi %get3A_3, %shift_right_arithmetic3A_6 : vector<16xi32>
    %shift_left3A = arith.constant 11 : i32
    %shift_left3A_8 = vector.broadcast %shift_left3A : i32 to vector<16xi32>
    %shift_left3A_9 = arith.shli %shift_right_arithmetic3A_7, %shift_left3A_8 : vector<16xi32>
    %and3A = arith.constant 4095 : i32
    %and3A_10 = vector.broadcast %and3A : i32 to vector<16xi32>
    %and3A_11 = arith.andi %get3A_3, %and3A_10 : vector<16xi32>
    %shift_right_arithmetic3A_12 = arith.constant 1 : i32
    %shift_right_arithmetic3A_13 = vector.broadcast %shift_right_arithmetic3A_12 : i32 to vector<16xi32>
    %shift_right_arithmetic3A_14 = arith.shrsi %and3A_11, %shift_right_arithmetic3A_13 : vector<16xi32>
    %add3A_15 = arith.addi %shift_left3A_9, %shift_right_arithmetic3A_14 : vector<16xi32>
    %swap3A = arith.constant 0 : index
    %swap3A_16 = tpu.vector_load %arg10[%swap3A] {strides = array<i32>} : memref<512xi32, #tpu.memory_space<vmem>>, vector<16xi32>,
    tpu.vector_store %arg10[%swap3A], %add3A_15 {strides = array<i32>} : memref<512xi32, #tpu.memory_space<vmem>>, vector<16xi32>,
    %shift_right_arithmetic3A_17 = arith.constant 14 : i32
    %shift_right_arithmetic3A_18 = vector.broadcast %shift_right_arithmetic3A_17 : i32 to vector<16xi32>
    %shift_right_arithmetic3A_19 = arith.shrsi %get3A_5, %shift_right_arithmetic3A_18 : vector<16xi32>
    %shift_left3A_20 = arith.constant 11 : i32
    %shift_left3A_21 = vector.broadcast %shift_left3A_20 : i32 to vector<16xi32>
    %shift_left3A_22 = arith.shli %shift_right_arithmetic3A_19, %shift_left3A_21 : vector<16xi32>
    %and3A_23 = arith.constant 4095 : i32
    %and3A_24 = vector.broadcast %and3A_23 : i32 to vector<16xi32>
    %and3A_25 = arith.andi %get3A_5, %and3A_24 : vector<16xi32>
    %shift_right_arithmetic3A_26 = arith.constant 1 : i32
    %shift_right_arithmetic3A_27 = vector.broadcast %shift_right_arithmetic3A_26 : i32 to vector<16xi32>
    %shift_right_arithmetic3A_28 = arith.shrsi %and3A_25, %shift_right_arithmetic3A_27 : vector<16xi32>
    %add3A_29 = arith.addi %shift_left3A_22, %shift_right_arithmetic3A_28 : vector<16xi32>
    %swap3A_30 = arith.constant 0 : index
    %swap3A_31 = tpu.vector_load %arg11[%swap3A_30] {strides = array<i32>} : memref<512xi32, #tpu.memory_space<vmem>>, vector<16xi32>,
    tpu.vector_store %arg11[%swap3A_30], %add3A_29 {strides = array<i32>} : memref<512xi32, #tpu.memory_space<vmem>>, vector<16xi32>,
    %get3A_32 = arith.constant 16 : index
    %get3A_33 = tpu.vector_load %arg8[%get3A_32] {strides = array<i32>} : memref<512xi32, #tpu.memory_space<vmem>>, vector<16xi32>,
    %get3A_34 = arith.constant 16 : index
    %get3A_35 = tpu.vector_load %arg9[%get3A_34] {strides = array<i32>} : memref<512xi32, #tpu.memory_space<vmem>>, vector<16xi32>,
    %shift_right_arithmetic3A_36 = arith.constant 14 : i32
    %shift_right_arithmetic3A_37 = vector.broadcast %shift_right_arithmetic3A_36 : i32 to vector<16xi32>
    %shift_right_arithmetic3A_38 = arith.shrsi %get3A_33, %shift_right_arithmetic3A_37 : vector<16xi32>
    %shift_left3A_39 = arith.constant 11 : i32
    %shift_left3A_40 = vector.broadcast %shift_left3A_39 : i32 to vector<16xi32>
    %shift_left3A_41 = arith.shli %shift_right_arithmetic3A_38, %shift_left3A_40 : vector<16xi32>
    %and3A_42 = arith.constant 4095 : i32
    %and3A_43 = vector.broadcast %and3A_42 : i32 to vector<16xi32>
    %and3A_44 = arith.andi %get3A_33, %and3A_43 : vector<16xi32>
    %shift_right_arithmetic3A_45 = arith.constant 1 : i32
    %shift_right_arithmetic3A_46 = vector.broadcast %shift_right_arithmetic3A_45 : i32 to vector<16xi32>
    %shift_right_arithmetic3A_47 = arith.shrsi %and3A_44, %shift_right_arithmetic3A_46 : vector<16xi32>
    %add3A_48 = arith.addi %shift_left3A_41, %shift_right_arithmetic3A_47 : vector<16xi32>
    %swap3A_49 = arith.constant 16 : index
    %swap3A_50 = tpu.vector_load %arg10[%swap3A_49] {strides = array<i32>} : memref<512xi32, #tpu.memory_space<vmem>>, vector<16xi32>,
    tpu.vector_store %arg10[%swap3A_49], %add3A_48 {strides = array<i32>} : memref<512xi32, #tpu.memory_space<vmem>>, vector<16xi32>,
    %shift_right_arithmetic3A_51 = arith.constant 14 : i32
    %shift_right_arithmetic3A_52 = vector.broadcast %shift_right_arithmetic3A_51 : i32 to vector<16xi32>
    %shift_right_arithmetic3A_53 = arith.shrsi %get3A_35, %shift_right_arithmetic3A_52 : vector<16xi32>
    %shift_left3A_54 = arith.constant 11 : i32
    %shift_left3A_55 = vector.broadcast %shift_left3A_54 : i32 to vector<16xi32>
    %shift_left3A_56 = arith.shli %shift_right_arithmetic3A_53, %shift_left3A_55 : vector<16xi32>
    %and3A_57 = arith.constant 4095 : i32
    %and3A_58 = vector.broadcast %and3A_57 : i32 to vector<16xi32>
    %and3A_59 = arith.andi %get3A_35, %and3A_58 : vector<16xi32>
    %shift_right_arithmetic3A_60 = arith.constant 1 : i32
    %shift_right_arithmetic3A_61 = vector.broadcast %shift_right_arithmetic3A_60 : i32 to vector<16xi32>
    %shift_right_arithmetic3A_62 = arith.shrsi %and3A_59, %shift_right_arithmetic3A_61 : vector<16xi32>
    %add3A_63 = arith.addi %shift_left3A_56, %shift_right_arithmetic3A_62 : vector<16xi32>
    %swap3A_64 = arith.constant 16 : index
    %swap3A_65 = tpu.vector_load %arg11[%swap3A_64] {strides = array<i32>} : memref<512xi32, #tpu.memory_space<vmem>>, vector<16xi32>,
    tpu.vector_store %arg11[%swap3A_64], %add3A_63 {strides = array<i32>} : memref<512xi32, #tpu.memory_space<vmem>>, vector<16xi32>,
    %get3A_66 = arith.constant 32 : index
    %get3A_67 = tpu.vector_load %arg8[%get3A_66] {strides = array<i32>} : memref<512xi32, #tpu.memory_space<vmem>>, vector<16xi32>,
    %get3A_68 = arith.constant 32 : index
    %get3A_69 = tpu.vector_load %arg9[%get3A_68] {strides = array<i32>} : memref<512xi32, #tpu.memory_space<vmem>>, vector<16xi32>,
    %shift_right_arithmetic3A_70 = arith.constant 14 : i32
    %shift_right_arithmetic3A_71 = vector.broadcast %shift_right_arithmetic3A_70 : i32 to vector<16xi32>
    %shift_right_arithmetic3A_72 = arith.shrsi %get3A_67, %shift_right_arithmetic3A_71 : vector<16xi32>
    %shift_left3A_73 = arith.constant 11 : i32
    %shift_left3A_74 = vector.broadcast %shift_left3A_73 : i32 to vector<16xi32>
    %shift_left3A_75 = arith.shli %shift_right_arithmetic3A_72, %shift_left3A_74 : vector<16xi32>
    %and3A_76 = arith.constant 4095 : i32
    %and3A_77 = vector.broadcast %and3A_76 : i32 to vector<16xi32>
    %and3A_78 = arith.andi %get3A_67, %and3A_77 : vector<16xi32>
    %shift_right_arithmetic3A_79 = arith.constant 1 : i32
    %shift_right_arithmetic3A_80 = vector.broadcast %shift_right_arithmetic3A_79 : i32 to vector<16xi32>
    %shift_right_arithmetic3A_81 = arith.shrsi %and3A_78, %shift_right_arithmetic3A_80 : vector<16xi32>
    %add3A_82 = arith.addi %shift_left3A_75, %shift_right_arithmetic3A_81 : vector<16xi32>
    %swap3A_83 = arith.constant 32 : index
    %swap3A_84 = tpu.vector_load %arg10[%swap3A_83] {strides = array<i32>} : memref<512xi32, #tpu.memory_space<vmem>>, vector<16xi32>,
    tpu.vector_store %arg10[%swap3A_83], %add3A_82 {strides = array<i32>} : memref<512xi32, #tpu.memory_space<vmem>>, vector<16xi32>,
    %shift_right_arithmetic3A_85 = arith.constant 14 : i32
    %shift_right_arithmetic3A_86 = vector.broadcast %shift_right_arithmetic3A_85 : i32 to vector<16xi32>
    %shift_right_arithmetic3A_87 = arith.shrsi %get3A_69, %shift_right_arithmetic3A_86 : vector<16xi32>
    %shift_left3A_88 = arith.constant 11 : i32
    %shift_left3A_89 = vector.broadcast %shift_left3A_88 : i32 to vector<16xi32>
    %shift_left3A_90 = arith.shli %shift_right_arithmetic3A_87, %shift_left3A_89 : vector<16xi32>
    %and3A_91 = arith.constant 4095 : i32
    %and3A_92 = vector.broadcast %and3A_91 : i32 to vector<16xi32>
    %and3A_93 = arith.andi %get3A_69, %and3A_92 : vector<16xi32>
    %shift_right_arithmetic3A_94 = arith.constant 1 : i32
    %shift_right_arithmetic3A_95 = vector.broadcast %shift_right_arithmetic3A_94 : i32 to vector<16xi32>
    %shift_right_arithmetic3A_96 = arith.shrsi %and3A_93, %shift_right_arithmetic3A_95 : vector<16xi32>
    %add3A_97 = arith.addi %shift_left3A_90, %shift_right_arithmetic3A_96 : vector<16xi32>
    %swap3A_98 = arith.constant 32 : index
    %swap3A_99 = tpu.vector_load %arg11[%swap3A_98] {strides = array<i32>} : memref<512xi32, #tpu.memory_space<vmem>>, vector<16xi32>,
    tpu.vector_store %arg11[%swap3A_98], %add3A_97 {strides = array<i32>} : memref<512xi32, #tpu.memory_space<vmem>>, vector<16xi32>,
    %get3A_100 = arith.constant 48 : index
    %get3A_101 = tpu.vector_load %arg8[%get3A_100] {strides = array<i32>} : memref<512xi32, #tpu.memory_space<vmem>>, vector<16xi32>,
    %get3A_102 = arith.constant 48 : index
    %get3A_103 = tpu.vector_load %arg9[%get3A_102] {strides = array<i32>} : memref<512xi32, #tpu.memory_space<vmem>>, vector<16xi32>,
    %shift_right_arithmetic3A_104 = arith.constant 14 : i32
    %shift_right_arithmetic3A_105 = vector.broadcast %shift_right_arithmetic3A_104 : i32 to vector<16xi32>
    %shift_right_arithmetic3A_106 = arith.shrsi %get3A_101, %shift_right_arithmetic3A_105 : vector<16xi32>
    %shift_left3A_107 = arith.constant 11 : i32
    %shift_left3A_108 = vector.broadcast %shift_left3A_107 : i32 to vector<16xi32>
    %shift_left3A_109 = arith.shli %shift_right_arithmetic3A_106, %shift_left3A_108 : vector<16xi32>
    %and3A_110 = arith.constant 4095 : i32
    %and3A_111 = vector.broadcast %and3A_110 : i32 to vector<16xi32>
    %and3A_112 = arith.andi %get3A_101, %and3A_111 : vector<16xi32>
    %shift_right_arithmetic3A_113 = arith.constant 1 : i32
    %shift_right_arithmetic3A_114 = vector.broadcast %shift_right_arithmetic3A_113 : i32 to vector<16xi32>
    %shift_right_arithmetic3A_115 = arith.shrsi %and3A_112, %shift_right_arithmetic3A_114 : vector<16xi32>
    %add3A_116 = arith.addi %shift_left3A_109, %shift_right_arithmetic3A_115 : vector<16xi32>
    %swap3A_117 = arith.constant 48 : index
    %swap3A_118 = tpu.vector_load %arg10[%swap3A_117] {strides = array<i32>} : memref<512xi32, #tpu.memory_space<vmem>>, vector<16xi32>,
    tpu.vector_store %arg10[%swap3A_117], %add3A_116 {strides = array<i32>} : memref<512xi32, #tpu.memory_space<vmem>>, vector<16xi32>,
    %shift_right_arithmetic3A_119 = arith.constant 14 : i32
    %shift_right_arithmetic3A_120 = vector.broadcast %shift_right_arithmetic3A_119 : i32 to vector<16xi32>
    %shift_right_arithmetic3A_121 = arith.shrsi %get3A_103, %shift_right_arithmetic3A_120 : vector<16xi32>
    %shift_left3A_122 = arith.constant 11 : i32
    %shift_left3A_123 = vector.broadcast %shift_left3A_122 : i32 to vector<16xi32>
    %shift_left3A_124 = arith.shli %shift_right_arithmetic3A_121, %shift_left3A_123 : vector<16xi32>
    %and3A_125 = arith.constant 4095 : i32
    %and3A_126 = vector.broadcast %and3A_125 : i32 to vector<16xi32>
    %and3A_127 = arith.andi %get3A_103, %and3A_126 : vector<16xi32>
    %shift_right_arithmetic3A_128 = arith.constant 1 : i32
    %shift_right_arithmetic3A_129 = vector.broadcast %shift_right_arithmetic3A_128 : i32 to vector<16xi32>
    %shift_right_arithmetic3A_130 = arith.shrsi %and3A_127, %shift_right_arithmetic3A_129 : vector<16xi32>
    %add3A_131 = arith.addi %shift_left3A_124, %shift_right_arithmetic3A_130 : vector<16xi32>
    %swap3A_132 = arith.constant 48 : index
    %swap3A_133 = tpu.vector_load %arg11[%swap3A_132] {strides = array<i32>} : memref<512xi32, #tpu.memory_space<vmem>>, vector<16xi32>,
    tpu.vector_store %arg11[%swap3A_132], %add3A_131 {strides = array<i32>} : memref<512xi32, #tpu.memory_space<vmem>>, vector<16xi32>,
    %get3A_134 = arith.constant 64 : index
    %get3A_135 = tpu.vector_load %arg8[%get3A_134] {strides = array<i32>} : memref<512xi32, #tpu.memory_space<vmem>>, vector<16xi32>,
    %get3A_136 = arith.constant 64 : index
    %get3A_137 = tpu.vector_load %arg9[%get3A_136] {strides = array<i32>} : memref<512xi32, #tpu.memory_space<vmem>>, vector<16xi32>,
    %shift_right_arithmetic3A_138 = arith.constant 14 : i32
    %shift_right_arithmetic3A_139 = vector.broadcast %shift_right_arithmetic3A_138 : i32 to vector<16xi32>
    %shift_right_arithmetic3A_140 = arith.shrsi %get3A_135, %shift_right_arithmetic3A_139 : vector<16xi32>
    %shift_left3A_141 = arith.constant 11 : i32
    %shift_left3A_142 = vector.broadcast %shift_left3A_141 : i32 to vector<16xi32>
    %shift_left3A_143 = arith.shli %shift_right_arithmetic3A_140, %shift_left3A_142 : vector<16xi32>
    %and3A_144 = arith.constant 4095 : i32
    %and3A_145 = vector.broadcast %and3A_144 : i32 to vector<16xi32>
    %and3A_146 = arith.andi %get3A_135, %and3A_145 : vector<16xi32>
    %shift_right_arithmetic3A_147 = arith.constant 1 : i32
    %shift_right_arithmetic3A_148 = vector.broadcast %shift_right_arithmetic3A_147 : i32 to vector<16xi32>
    %shift_right_arithmetic3A_149 = arith.shrsi %and3A_146, %shift_right_arithmetic3A_148 : vector<16xi32>
    %add3A_150 = arith.addi %shift_left3A_143, %shift_right_arithmetic3A_149 : vector<16xi32>
    %swap3A_151 = arith.constant 64 : index
    %swap3A_152 = tpu.vector_load %arg10[%swap3A_151] {strides = array<i32>} : memref<512xi32, #tpu.memory_space<vmem>>, vector<16xi32>,
    tpu.vector_store %arg10[%swap3A_151], %add3A_150 {strides = array<i32>} : memref<512xi32, #tpu.memory_space<vmem>>, vector<16xi32>,
    %shift_right_arithmetic3A_153 = arith.constant 14 : i32
    %shift_right_arithmetic3A_154 = vector.broadcast %shift_right_arithmetic3A_153 : i32 to vector<16xi32>
    %shift_right_arithmetic3A_155 = arith.shrsi %get3A_137, %shift_right_arithmetic3A_154 : vector<16xi32>
    %shift_left3A_156 = arith.constant 11 : i32
    %shift_left3A_157 = vector.broadcast %shift_left3A_156 : i32 to vector<16xi32>
    %shift_left3A_158 = arith.shli %shift_right_arithmetic3A_155, %shift_left3A_157 : vector<16xi32>
    %and3A_159 = arith.constant 4095 : i32
    %and3A_160 = vector.broadcast %and3A_159 : i32 to vector<16xi32>
    %and3A_161 = arith.andi %get3A_137, %and3A_160 : vector<16xi32>
    %shift_right_arithmetic3A_162 = arith.constant 1 : i32
    %shift_right_arithmetic3A_163 = vector.broadcast %shift_right_arithmetic3A_162 : i32 to vector<16xi32>
    %shift_right_arithmetic3A_164 = arith.shrsi %and3A_161, %shift_right_arithmetic3A_163 : vector<16xi32>
    %add3A_165 = arith.addi %shift_left3A_158, %shift_right_arithmetic3A_164 : vector<16xi32>
    %swap3A_166 = arith.constant 64 : index
    %swap3A_167 = tpu.vector_load %arg11[%swap3A_166] {strides = array<i32>} : memref<512xi32, #tpu.memory_space<vmem>>, vector<16xi32>,
    tpu.vector_store %arg11[%swap3A_166], %add3A_165 {strides = array<i32>} : memref<512xi32, #tpu.memory_space<vmem>>, vector<16xi32>,
    %get3A_168 = arith.constant 80 : index
    %get3A_169 = tpu.vector_load %arg8[%get3A_168] {strides = array<i32>} : memref<512xi32, #tpu.memory_space<vmem>>, vector<16xi32>,
    %get3A_170 = arith.constant 80 : index
    %get3A_171 = tpu.vector_load %arg9[%get3A_170] {strides = array<i32>} : memref<512xi32, #tpu.memory_space<vmem>>, vector<16xi32>,
    %shift_right_arithmetic3A_172 = arith.constant 14 : i32
    %shift_right_arithmetic3A_173 = vector.broadcast %shift_right_arithmetic3A_172 : i32 to vector<16xi32>
    %shift_right_arithmetic3A_174 = arith.shrsi %get3A_169, %shift_right_arithmetic3A_173 : vector<16xi32>
    %shift_left3A_175 = arith.constant 11 : i32
    %shift_left3A_176 = vector.broadcast %shift_left3A_175 : i32 to vector<16xi32>
    %shift_left3A_177 = arith.shli %shift_right_arithmetic3A_174, %shift_left3A_176 : vector<16xi32>
    %and3A_178 = arith.constant 4095 : i32
    %and3A_179 = vector.broadcast %and3A_178 : i32 to vector<16xi32>
    %and3A_180 = arith.andi %get3A_169, %and3A_179 : vector<16xi32>
    %shift_right_arithmetic3A_181 = arith.constant 1 : i32
    %shift_right_arithmetic3A_182 = vector.broadcast %shift_right_arithmetic3A_181 : i32 to vector<16xi32>
    %shift_right_arithmetic3A_183 = arith.shrsi %and3A_180, %shift_right_arithmetic3A_182 : vector<16xi32>
    %add3A_184 = arith.addi %shift_left3A_177, %shift_right_arithmetic3A_183 : vector<16xi32>
    %swap3A_185 = arith.constant 80 : index
    %swap3A_186 = tpu.vector_load %arg10[%swap3A_185] {strides = array<i32>} : memref<512xi32, #tpu.memory_space<vmem>>, vector<16xi32>,
    tpu.vector_store %arg10[%swap3A_185], %add3A_184 {strides = array<i32>} : memref<512xi32, #tpu.memory_space<vmem>>, vector<16xi32>,
    %shift_right_arithmetic3A_187 = arith.constant 14 : i32
    %shift_right_arithmetic3A_188 = vector.broadcast %shift_right_arithmetic3A_187 : i32 to vector<16xi32>
    %shift_right_arithmetic3A_189 = arith.shrsi %get3A_171, %shift_right_arithmetic3A_188 : vector<16xi32>
    %shift_left3A_190 = arith.constant 11 : i32
    %shift_left3A_191 = vector.broadcast %shift_left3A_190 : i32 to vector<16xi32>
    %shift_left3A_192 = arith.shli %shift_right_arithmetic3A_189, %shift_left3A_191 : vector<16xi32>
    %and3A_193 = arith.constant 4095 : i32
    %and3A_194 = vector.broadcast %and3A_193 : i32 to vector<16xi32>
    %and3A_195 = arith.andi %get3A_171, %and3A_194 : vector<16xi32>
    %shift_right_arithmetic3A_196 = arith.constant 1 : i32
    %shift_right_arithmetic3A_197 = vector.broadcast %shift_right_arithmetic3A_196 : i32 to vector<16xi32>
    %shift_right_arithmetic3A_198 = arith.shrsi %and3A_195, %shift_right_arithmetic3A_197 : vector<16xi32>
    %add3A_199 = arith.addi %shift_left3A_192, %shift_right_arithmetic3A_198 : vector<16xi32>
    %swap3A_200 = arith.constant 80 : index
    %swap3A_201 = tpu.vector_load %arg11[%swap3A_200] {strides = array<i32>} : memref<512xi32, #tpu.memory_space<vmem>>, vector<16xi32>,
    tpu.vector_store %arg11[%swap3A_200], %add3A_199 {strides = array<i32>} : memref<512xi32, #tpu.memory_space<vmem>>, vector<16xi32>,
    %get3A_202 = arith.constant 96 : index
    %get3A_203 = tpu.vector_load %arg8[%get3A_202] {strides = array<i32>} : memref<512xi32, #tpu.memory_space<vmem>>, vector<16xi32>,
    %get3A_204 = arith.constant 96 : index
    %get3A_205 = tpu.vector_load %arg9[%get3A_204] {strides = array<i32>} : memref<512xi32, #tpu.memory_space<vmem>>, vector<16xi32>,
    %shift_right_arithmetic3A_206 = arith.constant 14 : i32
    %shift_right_arithmetic3A_207 = vector.broadcast %shift_right_arithmetic3A_206 : i32 to vector<16xi32>
    %shift_right_arithmetic3A_208 = arith.shrsi %get3A_203, %shift_right_arithmetic3A_207 : vector<16xi32>
    %shift_left3A_209 = arith.constant 11 : i32
    %shift_left3A_210 = vector.broadcast %shift_left3A_209 : i32 to vector<16xi32>
    %shift_left3A_211 = arith.shli %shift_right_arithmetic3A_208, %shift_left3A_210 : vector<16xi32>
    %and3A_212 = arith.constant 4095 : i32
    %and3A_213 = vector.broadcast %and3A_212 : i32 to vector<16xi32>
    %and3A_214 = arith.andi %get3A_203, %and3A_213 : vector<16xi32>
    %shift_right_arithmetic3A_215 = arith.constant 1 : i32
    %shift_right_arithmetic3A_216 = vector.broadcast %shift_right_arithmetic3A_215 : i32 to vector<16xi32>
    %shift_right_arithmetic3A_217 = arith.shrsi %and3A_214, %shift_right_arithmetic3A_216 : vector<16xi32>
    %add3A_218 = arith.addi %shift_left3A_211, %shift_right_arithmetic3A_217 : vector<16xi32>
    %swap3A_219 = arith.constant 96 : index
    %swap3A_220 = tpu.vector_load %arg10[%swap3A_219] {strides = array<i32>} : memref<512xi32, #tpu.memory_space<vmem>>, vector<16xi32>,
    tpu.vector_store %arg10[%swap3A_219], %add3A_218 {strides = array<i32>} : memref<512xi32, #tpu.memory_space<vmem>>, vector<16xi32>,
    %shift_right_arithmetic3A_221 = arith.constant 14 : i32
    %shift_right_arithmetic3A_222 = vector.broadcast %shift_right_arithmetic3A_221 : i32 to vector<16xi32>
    %shift_right_arithmetic3A_223 = arith.shrsi %get3A_205, %shift_right_arithmetic3A_222 : vector<16xi32>
    %shift_left3A_224 = arith.constant 11 : i32
    %shift_left3A_225 = vector.broadcast %shift_left3A_224 : i32 to vector<16xi32>
    %shift_left3A_226 = arith.shli %shift_right_arithmetic3A_223, %shift_left3A_225 : vector<16xi32>
    %and3A_227 = arith.constant 4095 : i32
    %and3A_228 = vector.broadcast %and3A_227 : i32 to vector<16xi32>
    %and3A_229 = arith.andi %get3A_205, %and3A_228 : vector<16xi32>
    %shift_right_arithmetic3A_230 = arith.constant 1 : i32
    %shift_right_arithmetic3A_231 = vector.broadcast %shift_right_arithmetic3A_230 : i32 to vector<16xi32>
    %shift_right_arithmetic3A_232 = arith.shrsi %and3A_229, %shift_right_arithmetic3A_231 : vector<16xi32>
    %add3A_233 = arith.addi %shift_left3A_226, %shift_right_arithmetic3A_232 : vector<16xi32>
    %swap3A_234 = arith.constant 96 : index
    %swap3A_235 = tpu.vector_load %arg11[%swap3A_234] {strides = array<i32>} : memref<512xi32, #tpu.memory_space<vmem>>, vector<16xi32>,
    tpu.vector_store %arg11[%swap3A_234], %add3A_233 {strides = array<i32>} : memref<512xi32, #tpu.memory_space<vmem>>, vector<16xi32>,
    %get3A_236 = arith.constant 112 : index
    %get3A_237 = tpu.vector_load %arg8[%get3A_236] {strides = array<i32>} : memref<512xi32, #tpu.memory_space<vmem>>, vector<16xi32>,
    %get3A_238 = arith.constant 112 : index
    %get3A_239 = tpu.vector_load %arg9[%get3A_238] {strides = array<i32>} : memref<512xi32, #tpu.memory_space<vmem>>, vector<16xi32>,
    %shift_right_arithmetic3A_240 = arith.constant 14 : i32
    %shift_right_arithmetic3A_241 = vector.broadcast %shift_right_arithmetic3A_240 : i32 to vector<16xi32>
    %shift_right_arithmetic3A_242 = arith.shrsi %get3A_237, %shift_right_arithmetic3A_241 : vector<16xi32>
    %shift_left3A_243 = arith.constant 11 : i32
    %shift_left3A_244 = vector.broadcast %shift_left3A_243 : i32 to vector<16xi32>
    %shift_left3A_245 = arith.shli %shift_right_arithmetic3A_242, %shift_left3A_244 : vector<16xi32>
    %and3A_246 = arith.constant 4095 : i32
    %and3A_247 = vector.broadcast %and3A_246 : i32 to vector<16xi32>
    %and3A_248 = arith.andi %get3A_237, %and3A_247 : vector<16xi32>
    %shift_right_arithmetic3A_249 = arith.constant 1 : i32
    %shift_right_arithmetic3A_250 = vector.broadcast %shift_right_arithmetic3A_249 : i32 to vector<16xi32>
    %shift_right_arithmetic3A_251 = arith.shrsi %and3A_248, %shift_right_arithmetic3A_250 : vector<16xi32>
    %add3A_252 = arith.addi %shift_left3A_245, %shift_right_arithmetic3A_251 : vector<16xi32>
    %swap3A_253 = arith.constant 112 : index
    %swap3A_254 = tpu.vector_load %arg10[%swap3A_253] {strides = array<i32>} : memref<512xi32, #tpu.memory_space<vmem>>, vector<16xi32>,
    tpu.vector_store %arg10[%swap3A_253], %add3A_252 {strides = array<i32>} : memref<512xi32, #tpu.memory_space<vmem>>, vector<16xi32>,
    %shift_right_arithmetic3A_255 = arith.constant 14 : i32
    %shift_right_arithmetic3A_256 = vector.broadcast %shift_right_arithmetic3A_255 : i32 to vector<16xi32>
    %shift_right_arithmetic3A_257 = arith.shrsi %get3A_239, %shift_right_arithmetic3A_256 : vector<16xi32>
    %shift_left3A_258 = arith.constant 11 : i32
    %shift_left3A_259 = vector.broadcast %shift_left3A_258 : i32 to vector<16xi32>
    %shift_left3A_260 = arith.shli %shift_right_arithmetic3A_257, %shift_left3A_259 : vector<16xi32>
    %and3A_261 = arith.constant 4095 : i32
    %and3A_262 = vector.broadcast %and3A_261 : i32 to vector<16xi32>
    %and3A_263 = arith.andi %get3A_239, %and3A_262 : vector<16xi32>
    %shift_right_arithmetic3A_264 = arith.constant 1 : i32
    %shift_right_arithmetic3A_265 = vector.broadcast %shift_right_arithmetic3A_264 : i32 to vector<16xi32>
    %shift_right_arithmetic3A_266 = arith.shrsi %and3A_263, %shift_right_arithmetic3A_265 : vector<16xi32>
    %add3A_267 = arith.addi %shift_left3A_260, %shift_right_arithmetic3A_266 : vector<16xi32>
    %swap3A_268 = arith.constant 112 : index
    %swap3A_269 = tpu.vector_load %arg11[%swap3A_268] {strides = array<i32>} : memref<512xi32, #tpu.memory_space<vmem>>, vector<16xi32>,
    tpu.vector_store %arg11[%swap3A_268], %add3A_267 {strides = array<i32>} : memref<512xi32, #tpu.memory_space<vmem>>, vector<16xi32>,
    %get3A_270 = arith.constant 128 : index
    %get3A_271 = tpu.vector_load %arg8[%get3A_270] {strides = array<i32>} : memref<512xi32, #tpu.memory_space<vmem>>, vector<16xi32>,
    %get3A_272 = arith.constant 128 : index
    %get3A_273 = tpu.vector_load %arg9[%get3A_272] {strides = array<i32>} : memref<512xi32, #tpu.memory_space<vmem>>, vector<16xi32>,
    %shift_right_arithmetic3A_274 = arith.constant 14 : i32
    %shift_right_arithmetic3A_275 = vector.broadcast %shift_right_arithmetic3A_274 : i32 to vector<16xi32>
    %shift_right_arithmetic3A_276 = arith.shrsi %get3A_271, %shift_right_arithmetic3A_275 : vector<16xi32>
    %shift_left3A_277 = arith.constant 11 : i32
    %shift_left3A_278 = vector.broadcast %shift_left3A_277 : i32 to vector<16xi32>
    %shift_left3A_279 = arith.shli %shift_right_arithmetic3A_276, %shift_left3A_278 : vector<16xi32>
    %and3A_280 = arith.constant 4095 : i32
    %and3A_281 = vector.broadcast %and3A_280 : i32 to vector<16xi32>
    %and3A_282 = arith.andi %get3A_271, %and3A_281 : vector<16xi32>
    %shift_right_arithmetic3A_283 = arith.constant 1 : i32
    %shift_right_arithmetic3A_284 = vector.broadcast %shift_right_arithmetic3A_283 : i32 to vector<16xi32>
    %shift_right_arithmetic3A_285 = arith.shrsi %and3A_282, %shift_right_arithmetic3A_284 : vector<16xi32>
    %add3A_286 = arith.addi %shift_left3A_279, %shift_right_arithmetic3A_285 : vector<16xi32>
    %swap3A_287 = arith.constant 128 : index
    %swap3A_288 = tpu.vector_load %arg10[%swap3A_287] {strides = array<i32>} : memref<512xi32, #tpu.memory_space<vmem>>, vector<16xi32>,
    tpu.vector_store %arg10[%swap3A_287], %add3A_286 {strides = array<i32>} : memref<512xi32, #tpu.memory_space<vmem>>, vector<16xi32>,
    %shift_right_arithmetic3A_289 = arith.constant 14 : i32
    %shift_right_arithmetic3A_290 = vector.broadcast %shift_right_arithmetic3A_289 : i32 to vector<16xi32>
    %shift_right_arithmetic3A_291 = arith.shrsi %get3A_273, %shift_right_arithmetic3A_290 : vector<16xi32>
    %shift_left3A_292 = arith.constant 11 : i32
    %shift_left3A_293 = vector.broadcast %shift_left3A_292 : i32 to vector<16xi32>
    %shift_left3A_294 = arith.shli %shift_right_arithmetic3A_291, %shift_left3A_293 : vector<16xi32>
    %and3A_295 = arith.constant 4095 : i32
    %and3A_296 = vector.broadcast %and3A_295 : i32 to vector<16xi32>
    %and3A_297 = arith.andi %get3A_273, %and3A_296 : vector<16xi32>
    %shift_right_arithmetic3A_298 = arith.constant 1 : i32
    %shift_right_arithmetic3A_299 = vector.broadcast %shift_right_arithmetic3A_298 : i32 to vector<16xi32>
    %shift_right_arithmetic3A_300 = arith.shrsi %and3A_297, %shift_right_arithmetic3A_299 : vector<16xi32>
    %add3A_301 = arith.addi %shift_left3A_294, %shift_right_arithmetic3A_300 : vector<16xi32>
    %swap3A_302 = arith.constant 128 : index
    %swap3A_303 = tpu.vector_load %arg11[%swap3A_302] {strides = array<i32>} : memref<512xi32, #tpu.memory_space<vmem>>, vector<16xi32>,
    tpu.vector_store %arg11[%swap3A_302], %add3A_301 {strides = array<i32>} : memref<512xi32, #tpu.memory_space<vmem>>, vector<16xi32>,
    %get3A_304 = arith.constant 144 : index
    %get3A_305 = tpu.vector_load %arg8[%get3A_304] {strides = array<i32>} : memref<512xi32, #tpu.memory_space<vmem>>, vector<16xi32>,
    %get3A_306 = arith.constant 144 : index
    %get3A_307 = tpu.vector_load %arg9[%get3A_306] {strides = array<i32>} : memref<512xi32, #tpu.memory_space<vmem>>, vector<16xi32>,
    %shift_right_arithmetic3A_308 = arith.constant 14 : i32
    %shift_right_arithmetic3A_309 = vector.broadcast %shift_right_arithmetic3A_308 : i32 to vector<16xi32>
    %shift_right_arithmetic3A_310 = arith.shrsi %get3A_305, %shift_right_arithmetic3A_309 : vector<16xi32>
    %shift_left3A_311 = arith.constant 11 : i32
    %shift_left3A_312 = vector.broadcast %shift_left3A_311 : i32 to vector<16xi32>
    %shift_left3A_313 = arith.shli %shift_right_arithmetic3A_310, %shift_left3A_312 : vector<16xi32>
    %and3A_314 = arith.constant 4095 : i32
    %and3A_315 = vector.broadcast %and3A_314 : i32 to vector<16xi32>
    %and3A_316 = arith.andi %get3A_305, %and3A_315 : vector<16xi32>
    %shift_right_arithmetic3A_317 = arith.constant 1 : i32
    %shift_right_arithmetic3A_318 = vector.broadcast %shift_right_arithmetic3A_317 : i32 to vector<16xi32>
    %shift_right_arithmetic3A_319 = arith.shrsi %and3A_316, %shift_right_arithmetic3A_318 : vector<16xi32>
    %add3A_320 = arith.addi %shift_left3A_313, %shift_right_arithmetic3A_319 : vector<16xi32>
    %swap3A_321 = arith.constant 144 : index
    %swap3A_322 = tpu.vector_load %arg10[%swap3A_321] {strides = array<i32>} : memref<512xi32, #tpu.memory_space<vmem>>, vector<16xi32>,
    tpu.vector_store %arg10[%swap3A_321], %add3A_320 {strides = array<i32>} : memref<512xi32, #tpu.memory_space<vmem>>, vector<16xi32>,
    %shift_right_arithmetic3A_323 = arith.constant 14 : i32
    %shift_right_arithmetic3A_324 = vector.broadcast %shift_right_arithmetic3A_323 : i32 to vector<16xi32>
    %shift_right_arithmetic3A_325 = arith.shrsi %get3A_307, %shift_right_arithmetic3A_324 : vector<16xi32>
    %shift_left3A_326 = arith.constant 11 : i32
    %shift_left3A_327 = vector.broadcast %shift_left3A_326 : i32 to vector<16xi32>
    %shift_left3A_328 = arith.shli %shift_right_arithmetic3A_325, %shift_left3A_327 : vector<16xi32>
    %and3A_329 = arith.constant 4095 : i32
    %and3A_330 = vector.broadcast %and3A_329 : i32 to vector<16xi32>
    %and3A_331 = arith.andi %get3A_307, %and3A_330 : vector<16xi32>
    %shift_right_arithmetic3A_332 = arith.constant 1 : i32
    %shift_right_arithmetic3A_333 = vector.broadcast %shift_right_arithmetic3A_332 : i32 to vector<16xi32>
    %shift_right_arithmetic3A_334 = arith.shrsi %and3A_331, %shift_right_arithmetic3A_333 : vector<16xi32>
    %add3A_335 = arith.addi %shift_left3A_328, %shift_right_arithmetic3A_334 : vector<16xi32>
    %swap3A_336 = arith.constant 144 : index
    %swap3A_337 = tpu.vector_load %arg11[%swap3A_336] {strides = array<i32>} : memref<512xi32, #tpu.memory_space<vmem>>, vector<16xi32>,
    tpu.vector_store %arg11[%swap3A_336], %add3A_335 {strides = array<i32>} : memref<512xi32, #tpu.memory_space<vmem>>, vector<16xi32>,
    %get3A_338 = arith.constant 160 : index
    %get3A_339 = tpu.vector_load %arg8[%get3A_338] {strides = array<i32>} : memref<512xi32, #tpu.memory_space<vmem>>, vector<16xi32>,
    %get3A_340 = arith.constant 160 : index
    %get3A_341 = tpu.vector_load %arg9[%get3A_340] {strides = array<i32>} : memref<512xi32, #tpu.memory_space<vmem>>, vector<16xi32>,
    %shift_right_arithmetic3A_342 = arith.constant 14 : i32
    %shift_right_arithmetic3A_343 = vector.broadcast %shift_right_arithmetic3A_342 : i32 to vector<16xi32>
    %shift_right_arithmetic3A_344 = arith.shrsi %get3A_339, %shift_right_arithmetic3A_343 : vector<16xi32>
    %shift_left3A_345 = arith.constant 11 : i32
    %shift_left3A_346 = vector.broadcast %shift_left3A_345 : i32 to vector<16xi32>
    %shift_left3A_347 = arith.shli %shift_right_arithmetic3A_344, %shift_left3A_346 : vector<16xi32>
    %and3A_348 = arith.constant 4095 : i32
    %and3A_349 = vector.broadcast %and3A_348 : i32 to vector<16xi32>
    %and3A_350 = arith.andi %get3A_339, %and3A_349 : vector<16xi32>
    %shift_right_arithmetic3A_351 = arith.constant 1 : i32
    %shift_right_arithmetic3A_352 = vector.broadcast %shift_right_arithmetic3A_351 : i32 to vector<16xi32>
    %shift_right_arithmetic3A_353 = arith.shrsi %and3A_350, %shift_right_arithmetic3A_352 : vector<16xi32>
    %add3A_354 = arith.addi %shift_left3A_347, %shift_right_arithmetic3A_353 : vector<16xi32>
    %swap3A_355 = arith.constant 160 : index
    %swap3A_356 = tpu.vector_load %arg10[%swap3A_355] {strides = array<i32>} : memref<512xi32, #tpu.memory_space<vmem>>, vector<16xi32>,
    tpu.vector_store %arg10[%swap3A_355], %add3A_354 {strides = array<i32>} : memref<512xi32, #tpu.memory_space<vmem>>, vector<16xi32>,
    %shift_right_arithmetic3A_357 = arith.constant 14 : i32
    %shift_right_arithmetic3A_358 = vector.broadcast %shift_right_arithmetic3A_357 : i32 to vector<16xi32>
    %shift_right_arithmetic3A_359 = arith.shrsi %get3A_341, %shift_right_arithmetic3A_358 : vector<16xi32>
    %shift_left3A_360 = arith.constant 11 : i32
    %shift_left3A_361 = vector.broadcast %shift_left3A_360 : i32 to vector<16xi32>
    %shift_left3A_362 = arith.shli %shift_right_arithmetic3A_359, %shift_left3A_361 : vector<16xi32>
    %and3A_363 = arith.constant 4095 : i32
    %and3A_364 = vector.broadcast %and3A_363 : i32 to vector<16xi32>
    %and3A_365 = arith.andi %get3A_341, %and3A_364 : vector<16xi32>
    %shift_right_arithmetic3A_366 = arith.constant 1 : i32
    %shift_right_arithmetic3A_367 = vector.broadcast %shift_right_arithmetic3A_366 : i32 to vector<16xi32>
    %shift_right_arithmetic3A_368 = arith.shrsi %and3A_365, %shift_right_arithmetic3A_367 : vector<16xi32>
    %add3A_369 = arith.addi %shift_left3A_362, %shift_right_arithmetic3A_368 : vector<16xi32>
    %swap3A_370 = arith.constant 160 : index
    %swap3A_371 = tpu.vector_load %arg11[%swap3A_370] {strides = array<i32>} : memref<512xi32, #tpu.memory_space<vmem>>, vector<16xi32>,
    tpu.vector_store %arg11[%swap3A_370], %add3A_369 {strides = array<i32>} : memref<512xi32, #tpu.memory_space<vmem>>, vector<16xi32>,
    %get3A_372 = arith.constant 176 : index
    %get3A_373 = tpu.vector_load %arg8[%get3A_372] {strides = array<i32>} : memref<512xi32, #tpu.memory_space<vmem>>, vector<16xi32>,
    %get3A_374 = arith.constant 176 : index
    %get3A_375 = tpu.vector_load %arg9[%get3A_374] {strides = array<i32>} : memref<512xi32, #tpu.memory_space<vmem>>, vector<16xi32>,
    %shift_right_arithmetic3A_376 = arith.constant 14 : i32
    %shift_right_arithmetic3A_377 = vector.broadcast %shift_right_arithmetic3A_376 : i32 to vector<16xi32>
    %shift_right_arithmetic3A_378 = arith.shrsi %get3A_373, %shift_right_arithmetic3A_377 : vector<16xi32>
    %shift_left3A_379 = arith.constant 11 : i32
    %shift_left3A_380 = vector.broadcast %shift_left3A_379 : i32 to vector<16xi32>
    %shift_left3A_381 = arith.shli %shift_right_arithmetic3A_378, %shift_left3A_380 : vector<16xi32>
    %and3A_382 = arith.constant 4095 : i32
    %and3A_383 = vector.broadcast %and3A_382 : i32 to vector<16xi32>
    %and3A_384 = arith.andi %get3A_373, %and3A_383 : vector<16xi32>
    %shift_right_arithmetic3A_385 = arith.constant 1 : i32
    %shift_right_arithmetic3A_386 = vector.broadcast %shift_right_arithmetic3A_385 : i32 to vector<16xi32>
    %shift_right_arithmetic3A_387 = arith.shrsi %and3A_384, %shift_right_arithmetic3A_386 : vector<16xi32>
    %add3A_388 = arith.addi %shift_left3A_381, %shift_right_arithmetic3A_387 : vector<16xi32>
    %swap3A_389 = arith.constant 176 : index
    %swap3A_390 = tpu.vector_load %arg10[%swap3A_389] {strides = array<i32>} : memref<512xi32, #tpu.memory_space<vmem>>, vector<16xi32>,
    tpu.vector_store %arg10[%swap3A_389], %add3A_388 {strides = array<i32>} : memref<512xi32, #tpu.memory_space<vmem>>, vector<16xi32>,
    %shift_right_arithmetic3A_391 = arith.constant 14 : i32
    %shift_right_arithmetic3A_392 = vector.broadcast %shift_right_arithmetic3A_391 : i32 to vector<16xi32>
    %shift_right_arithmetic3A_393 = arith.shrsi %get3A_375, %shift_right_arithmetic3A_392 : vector<16xi32>
    %shift_left3A_394 = arith.constant 11 : i32
    %shift_left3A_395 = vector.broadcast %shift_left3A_394 : i32 to vector<16xi32>
    %shift_left3A_396 = arith.shli %shift_right_arithmetic3A_393, %shift_left3A_395 : vector<16xi32>
    %and3A_397 = arith.constant 4095 : i32
    %and3A_398 = vector.broadcast %and3A_397 : i32 to vector<16xi32>
    %and3A_399 = arith.andi %get3A_375, %and3A_398 : vector<16xi32>
    %shift_right_arithmetic3A_400 = arith.constant 1 : i32
    %shift_right_arithmetic3A_401 = vector.broadcast %shift_right_arithmetic3A_400 : i32 to vector<16xi32>
    %shift_right_arithmetic3A_402 = arith.shrsi %and3A_399, %shift_right_arithmetic3A_401 : vector<16xi32>
    %add3A_403 = arith.addi %shift_left3A_396, %shift_right_arithmetic3A_402 : vector<16xi32>
    %swap3A_404 = arith.constant 176 : index
    %swap3A_405 = tpu.vector_load %arg11[%swap3A_404] {strides = array<i32>} : memref<512xi32, #tpu.memory_space<vmem>>, vector<16xi32>,
    tpu.vector_store %arg11[%swap3A_404], %add3A_403 {strides = array<i32>} : memref<512xi32, #tpu.memory_space<vmem>>, vector<16xi32>,
    %get3A_406 = arith.constant 192 : index
    %get3A_407 = tpu.vector_load %arg8[%get3A_406] {strides = array<i32>} : memref<512xi32, #tpu.memory_space<vmem>>, vector<16xi32>,
    %get3A_408 = arith.constant 192 : index
    %get3A_409 = tpu.vector_load %arg9[%get3A_408] {strides = array<i32>} : memref<512xi32, #tpu.memory_space<vmem>>, vector<16xi32>,
    %shift_right_arithmetic3A_410 = arith.constant 14 : i32
    %shift_right_arithmetic3A_411 = vector.broadcast %shift_right_arithmetic3A_410 : i32 to vector<16xi32>
    %shift_right_arithmetic3A_412 = arith.shrsi %get3A_407, %shift_right_arithmetic3A_411 : vector<16xi32>
    %shift_left3A_413 = arith.constant 11 : i32
    %shift_left3A_414 = vector.broadcast %shift_left3A_413 : i32 to vector<16xi32>
    %shift_left3A_415 = arith.shli %shift_right_arithmetic3A_412, %shift_left3A_414 : vector<16xi32>
    %and3A_416 = arith.constant 4095 : i32
    %and3A_417 = vector.broadcast %and3A_416 : i32 to vector<16xi32>
    %and3A_418 = arith.andi %get3A_407, %and3A_417 : vector<16xi32>
    %shift_right_arithmetic3A_419 = arith.constant 1 : i32
    %shift_right_arithmetic3A_420 = vector.broadcast %shift_right_arithmetic3A_419 : i32 to vector<16xi32>
    %shift_right_arithmetic3A_421 = arith.shrsi %and3A_418, %shift_right_arithmetic3A_420 : vector<16xi32>
    %add3A_422 = arith.addi %shift_left3A_415, %shift_right_arithmetic3A_421 : vector<16xi32>
    %swap3A_423 = arith.constant 192 : index
    %swap3A_424 = tpu.vector_load %arg10[%swap3A_423] {strides = array<i32>} : memref<512xi32, #tpu.memory_space<vmem>>, vector<16xi32>,
    tpu.vector_store %arg10[%swap3A_423], %add3A_422 {strides = array<i32>} : memref<512xi32, #tpu.memory_space<vmem>>, vector<16xi32>,
    %shift_right_arithmetic3A_425 = arith.constant 14 : i32
    %shift_right_arithmetic3A_426 = vector.broadcast %shift_right_arithmetic3A_425 : i32 to vector<16xi32>
    %shift_right_arithmetic3A_427 = arith.shrsi %get3A_409, %shift_right_arithmetic3A_426 : vector<16xi32>
    %shift_left3A_428 = arith.constant 11 : i32
    %shift_left3A_429 = vector.broadcast %shift_left3A_428 : i32 to vector<16xi32>
    %shift_left3A_430 = arith.shli %shift_right_arithmetic3A_427, %shift_left3A_429 : vector<16xi32>
    %and3A_431 = arith.constant 4095 : i32
    %and3A_432 = vector.broadcast %and3A_431 : i32 to vector<16xi32>
    %and3A_433 = arith.andi %get3A_409, %and3A_432 : vector<16xi32>
    %shift_right_arithmetic3A_434 = arith.constant 1 : i32
    %shift_right_arithmetic3A_435 = vector.broadcast %shift_right_arithmetic3A_434 : i32 to vector<16xi32>
    %shift_right_arithmetic3A_436 = arith.shrsi %and3A_433, %shift_right_arithmetic3A_435 : vector<16xi32>
    %add3A_437 = arith.addi %shift_left3A_430, %shift_right_arithmetic3A_436 : vector<16xi32>
    %swap3A_438 = arith.constant 192 : index
    %swap3A_439 = tpu.vector_load %arg11[%swap3A_438] {strides = array<i32>} : memref<512xi32, #tpu.memory_space<vmem>>, vector<16xi32>,
    tpu.vector_store %arg11[%swap3A_438], %add3A_437 {strides = array<i32>} : memref<512xi32, #tpu.memory_space<vmem>>, vector<16xi32>,
    %get3A_440 = arith.constant 208 : index
    %get3A_441 = tpu.vector_load %arg8[%get3A_440] {strides = array<i32>} : memref<512xi32, #tpu.memory_space<vmem>>, vector<16xi32>,
    %get3A_442 = arith.constant 208 : index
    %get3A_443 = tpu.vector_load %arg9[%get3A_442] {strides = array<i32>} : memref<512xi32, #tpu.memory_space<vmem>>, vector<16xi32>,
    %shift_right_arithmetic3A_444 = arith.constant 14 : i32
    %shift_right_arithmetic3A_445 = vector.broadcast %shift_right_arithmetic3A_444 : i32 to vector<16xi32>
    %shift_right_arithmetic3A_446 = arith.shrsi %get3A_441, %shift_right_arithmetic3A_445 : vector<16xi32>
    %shift_left3A_447 = arith.constant 11 : i32
    %shift_left3A_448 = vector.broadcast %shift_left3A_447 : i32 to vector<16xi32>
    %shift_left3A_449 = arith.shli %shift_right_arithmetic3A_446, %shift_left3A_448 : vector<16xi32>
    %and3A_450 = arith.constant 4095 : i32
    %and3A_451 = vector.broadcast %and3A_450 : i32 to vector<16xi32>
    %and3A_452 = arith.andi %get3A_441, %and3A_451 : vector<16xi32>
    %shift_right_arithmetic3A_453 = arith.constant 1 : i32
    %shift_right_arithmetic3A_454 = vector.broadcast %shift_right_arithmetic3A_453 : i32 to vector<16xi32>
    %shift_right_arithmetic3A_455 = arith.shrsi %and3A_452, %shift_right_arithmetic3A_454 : vector<16xi32>
    %add3A_456 = arith.addi %shift_left3A_449, %shift_right_arithmetic3A_455 : vector<16xi32>
    %swap3A_457 = arith.constant 208 : index
    %swap3A_458 = tpu.vector_load %arg10[%swap3A_457] {strides = array<i32>} : memref<512xi32, #tpu.memory_space<vmem>>, vector<16xi32>,
    tpu.vector_store %arg10[%swap3A_457], %add3A_456 {strides = array<i32>} : memref<512xi32, #tpu.memory_space<vmem>>, vector<16xi32>,
    %shift_right_arithmetic3A_459 = arith.constant 14 : i32
    %shift_right_arithmetic3A_460 = vector.broadcast %shift_right_arithmetic3A_459 : i32 to vector<16xi32>
    %shift_right_arithmetic3A_461 = arith.shrsi %get3A_443, %shift_right_arithmetic3A_460 : vector<16xi32>
    %shift_left3A_462 = arith.constant 11 : i32
    %shift_left3A_463 = vector.broadcast %shift_left3A_462 : i32 to vector<16xi32>
    %shift_left3A_464 = arith.shli %shift_right_arithmetic3A_461, %shift_left3A_463 : vector<16xi32>
    %and3A_465 = arith.constant 4095 : i32
    %and3A_466 = vector.broadcast %and3A_465 : i32 to vector<16xi32>
    %and3A_467 = arith.andi %get3A_443, %and3A_466 : vector<16xi32>
    %shift_right_arithmetic3A_468 = arith.constant 1 : i32
    %shift_right_arithmetic3A_469 = vector.broadcast %shift_right_arithmetic3A_468 : i32 to vector<16xi32>
    %shift_right_arithmetic3A_470 = arith.shrsi %and3A_467, %shift_right_arithmetic3A_469 : vector<16xi32>
    %add3A_471 = arith.addi %shift_left3A_464, %shift_right_arithmetic3A_470 : vector<16xi32>
    %swap3A_472 = arith.constant 208 : index
    %swap3A_473 = tpu.vector_load %arg11[%swap3A_472] {strides = array<i32>} : memref<512xi32, #tpu.memory_space<vmem>>, vector<16xi32>,
    tpu.vector_store %arg11[%swap3A_472], %add3A_471 {strides = array<i32>} : memref<512xi32, #tpu.memory_space<vmem>>, vector<16xi32>,
    %get3A_474 = arith.constant 224 : index
    %get3A_475 = tpu.vector_load %arg8[%get3A_474] {strides = array<i32>} : memref<512xi32, #tpu.memory_space<vmem>>, vector<16xi32>,
    %get3A_476 = arith.constant 224 : index
    %get3A_477 = tpu.vector_load %arg9[%get3A_476] {strides = array<i32>} : memref<512xi32, #tpu.memory_space<vmem>>, vector<16xi32>,
    %shift_right_arithmetic3A_478 = arith.constant 14 : i32
    %shift_right_arithmetic3A_479 = vector.broadcast %shift_right_arithmetic3A_478 : i32 to vector<16xi32>
    %shift_right_arithmetic3A_480 = arith.shrsi %get3A_475, %shift_right_arithmetic3A_479 : vector<16xi32>
    %shift_left3A_481 = arith.constant 11 : i32
    %shift_left3A_482 = vector.broadcast %shift_left3A_481 : i32 to vector<16xi32>
    %shift_left3A_483 = arith.shli %shift_right_arithmetic3A_480, %shift_left3A_482 : vector<16xi32>
    %and3A_484 = arith.constant 4095 : i32
    %and3A_485 = vector.broadcast %and3A_484 : i32 to vector<16xi32>
    %and3A_486 = arith.andi %get3A_475, %and3A_485 : vector<16xi32>
    %shift_right_arithmetic3A_487 = arith.constant 1 : i32
    %shift_right_arithmetic3A_488 = vector.broadcast %shift_right_arithmetic3A_487 : i32 to vector<16xi32>
    %shift_right_arithmetic3A_489 = arith.shrsi %and3A_486, %shift_right_arithmetic3A_488 : vector<16xi32>
    %add3A_490 = arith.addi %shift_left3A_483, %shift_right_arithmetic3A_489 : vector<16xi32>
    %swap3A_491 = arith.constant 224 : index
    %swap3A_492 = tpu.vector_load %arg10[%swap3A_491] {strides = array<i32>} : memref<512xi32, #tpu.memory_space<vmem>>, vector<16xi32>,
    tpu.vector_store %arg10[%swap3A_491], %add3A_490 {strides = array<i32>} : memref<512xi32, #tpu.memory_space<vmem>>, vector<16xi32>,
    %shift_right_arithmetic3A_493 = arith.constant 14 : i32
    %shift_right_arithmetic3A_494 = vector.broadcast %shift_right_arithmetic3A_493 : i32 to vector<16xi32>
    %shift_right_arithmetic3A_495 = arith.shrsi %get3A_477, %shift_right_arithmetic3A_494 : vector<16xi32>
    %shift_left3A_496 = arith.constant 11 : i32
    %shift_left3A_497 = vector.broadcast %shift_left3A_496 : i32 to vector<16xi32>
    %shift_left3A_498 = arith.shli %shift_right_arithmetic3A_495, %shift_left3A_497 : vector<16xi32>
    %and3A_499 = arith.constant 4095 : i32
    %and3A_500 = vector.broadcast %and3A_499 : i32 to vector<16xi32>
    %and3A_501 = arith.andi %get3A_477, %and3A_500 : vector<16xi32>
    %shift_right_arithmetic3A_502 = arith.constant 1 : i32
    %shift_right_arithmetic3A_503 = vector.broadcast %shift_right_arithmetic3A_502 : i32 to vector<16xi32>
    %shift_right_arithmetic3A_504 = arith.shrsi %and3A_501, %shift_right_arithmetic3A_503 : vector<16xi32>
    %add3A_505 = arith.addi %shift_left3A_498, %shift_right_arithmetic3A_504 : vector<16xi32>
    %swap3A_506 = arith.constant 224 : index
    %swap3A_507 = tpu.vector_load %arg11[%swap3A_506] {strides = array<i32>} : memref<512xi32, #tpu.memory_space<vmem>>, vector<16xi32>,
    tpu.vector_store %arg11[%swap3A_506], %add3A_505 {strides = array<i32>} : memref<512xi32, #tpu.memory_space<vmem>>, vector<16xi32>,
    %get3A_508 = arith.constant 240 : index
    %get3A_509 = tpu.vector_load %arg8[%get3A_508] {strides = array<i32>} : memref<512xi32, #tpu.memory_space<vmem>>, vector<16xi32>,
    %get3A_510 = arith.constant 240 : index
    %get3A_511 = tpu.vector_load %arg9[%get3A_510] {strides = array<i32>} : memref<512xi32, #tpu.memory_space<vmem>>, vector<16xi32>,
    %shift_right_arithmetic3A_512 = arith.constant 14 : i32
    %shift_right_arithmetic3A_513 = vector.broadcast %shift_right_arithmetic3A_512 : i32 to vector<16xi32>
    %shift_right_arithmetic3A_514 = arith.shrsi %get3A_509, %shift_right_arithmetic3A_513 : vector<16xi32>
    %shift_left3A_515 = arith.constant 11 : i32
    %shift_left3A_516 = vector.broadcast %shift_left3A_515 : i32 to vector<16xi32>
    %shift_left3A_517 = arith.shli %shift_right_arithmetic3A_514, %shift_left3A_516 : vector<16xi32>
    %and3A_518 = arith.constant 4095 : i32
    %and3A_519 = vector.broadcast %and3A_518 : i32 to vector<16xi32>
    %and3A_520 = arith.andi %get3A_509, %and3A_519 : vector<16xi32>
    %shift_right_arithmetic3A_521 = arith.constant 1 : i32
    %shift_right_arithmetic3A_522 = vector.broadcast %shift_right_arithmetic3A_521 : i32 to vector<16xi32>
    %shift_right_arithmetic3A_523 = arith.shrsi %and3A_520, %shift_right_arithmetic3A_522 : vector<16xi32>
    %add3A_524 = arith.addi %shift_left3A_517, %shift_right_arithmetic3A_523 : vector<16xi32>
    %swap3A_525 = arith.constant 240 : index
    %swap3A_526 = tpu.vector_load %arg10[%swap3A_525] {strides = array<i32>} : memref<512xi32, #tpu.memory_space<vmem>>, vector<16xi32>,
    tpu.vector_store %arg10[%swap3A_525], %add3A_524 {strides = array<i32>} : memref<512xi32, #tpu.memory_space<vmem>>, vector<16xi32>,
    %shift_right_arithmetic3A_527 = arith.constant 14 : i32
    %shift_right_arithmetic3A_528 = vector.broadcast %shift_right_arithmetic3A_527 : i32 to vector<16xi32>
    %shift_right_arithmetic3A_529 = arith.shrsi %get3A_511, %shift_right_arithmetic3A_528 : vector<16xi32>
    %shift_left3A_530 = arith.constant 11 : i32
    %shift_left3A_531 = vector.broadcast %shift_left3A_530 : i32 to vector<16xi32>
    %shift_left3A_532 = arith.shli %shift_right_arithmetic3A_529, %shift_left3A_531 : vector<16xi32>
    %and3A_533 = arith.constant 4095 : i32
    %and3A_534 = vector.broadcast %and3A_533 : i32 to vector<16xi32>
    %and3A_535 = arith.andi %get3A_511, %and3A_534 : vector<16xi32>
    %shift_right_arithmetic3A_536 = arith.constant 1 : i32
    %shift_right_arithmetic3A_537 = vector.broadcast %shift_right_arithmetic3A_536 : i32 to vector<16xi32>
    %shift_right_arithmetic3A_538 = arith.shrsi %and3A_535, %shift_right_arithmetic3A_537 : vector<16xi32>
    %add3A_539 = arith.addi %shift_left3A_532, %shift_right_arithmetic3A_538 : vector<16xi32>
    %swap3A_540 = arith.constant 240 : index
    %swap3A_541 = tpu.vector_load %arg11[%swap3A_540] {strides = array<i32>} : memref<512xi32, #tpu.memory_space<vmem>>, vector<16xi32>,
    tpu.vector_store %arg11[%swap3A_540], %add3A_539 {strides = array<i32>} : memref<512xi32, #tpu.memory_space<vmem>>, vector<16xi32>,
    %get3A_542 = arith.constant 256 : index
    %get3A_543 = tpu.vector_load %arg8[%get3A_542] {strides = array<i32>} : memref<512xi32, #tpu.memory_space<vmem>>, vector<16xi32>,
    %get3A_544 = arith.constant 256 : index
    %get3A_545 = tpu.vector_load %arg9[%get3A_544] {strides = array<i32>} : memref<512xi32, #tpu.memory_space<vmem>>, vector<16xi32>,
    %shift_right_arithmetic3A_546 = arith.constant 14 : i32
    %shift_right_arithmetic3A_547 = vector.broadcast %shift_right_arithmetic3A_546 : i32 to vector<16xi32>
    %shift_right_arithmetic3A_548 = arith.shrsi %get3A_543, %shift_right_arithmetic3A_547 : vector<16xi32>
    %shift_left3A_549 = arith.constant 11 : i32
    %shift_left3A_550 = vector.broadcast %shift_left3A_549 : i32 to vector<16xi32>
    %shift_left3A_551 = arith.shli %shift_right_arithmetic3A_548, %shift_left3A_550 : vector<16xi32>
    %and3A_552 = arith.constant 4095 : i32
    %and3A_553 = vector.broadcast %and3A_552 : i32 to vector<16xi32>
    %and3A_554 = arith.andi %get3A_543, %and3A_553 : vector<16xi32>
    %shift_right_arithmetic3A_555 = arith.constant 1 : i32
    %shift_right_arithmetic3A_556 = vector.broadcast %shift_right_arithmetic3A_555 : i32 to vector<16xi32>
    %shift_right_arithmetic3A_557 = arith.shrsi %and3A_554, %shift_right_arithmetic3A_556 : vector<16xi32>
    %add3A_558 = arith.addi %shift_left3A_551, %shift_right_arithmetic3A_557 : vector<16xi32>
    %swap3A_559 = arith.constant 256 : index
    %swap3A_560 = tpu.vector_load %arg10[%swap3A_559] {strides = array<i32>} : memref<512xi32, #tpu.memory_space<vmem>>, vector<16xi32>,
    tpu.vector_store %arg10[%swap3A_559], %add3A_558 {strides = array<i32>} : memref<512xi32, #tpu.memory_space<vmem>>, vector<16xi32>,
    %shift_right_arithmetic3A_561 = arith.constant 14 : i32
    %shift_right_arithmetic3A_562 = vector.broadcast %shift_right_arithmetic3A_561 : i32 to vector<16xi32>
    %shift_right_arithmetic3A_563 = arith.shrsi %get3A_545, %shift_right_arithmetic3A_562 : vector<16xi32>
    %shift_left3A_564 = arith.constant 11 : i32
    %shift_left3A_565 = vector.broadcast %shift_left3A_564 : i32 to vector<16xi32>
    %shift_left3A_566 = arith.shli %shift_right_arithmetic3A_563, %shift_left3A_565 : vector<16xi32>
    %and3A_567 = arith.constant 4095 : i32
    %and3A_568 = vector.broadcast %and3A_567 : i32 to vector<16xi32>
    %and3A_569 = arith.andi %get3A_545, %and3A_568 : vector<16xi32>
    %shift_right_arithmetic3A_570 = arith.constant 1 : i32
    %shift_right_arithmetic3A_571 = vector.broadcast %shift_right_arithmetic3A_570 : i32 to vector<16xi32>
    %shift_right_arithmetic3A_572 = arith.shrsi %and3A_569, %shift_right_arithmetic3A_571 : vector<16xi32>
    %add3A_573 = arith.addi %shift_left3A_566, %shift_right_arithmetic3A_572 : vector<16xi32>
    %swap3A_574 = arith.constant 256 : index
    %swap3A_575 = tpu.vector_load %arg11[%swap3A_574] {strides = array<i32>} : memref<512xi32, #tpu.memory_space<vmem>>, vector<16xi32>,
    tpu.vector_store %arg11[%swap3A_574], %add3A_573 {strides = array<i32>} : memref<512xi32, #tpu.memory_space<vmem>>, vector<16xi32>,
    %get3A_576 = arith.constant 272 : index
    %get3A_577 = tpu.vector_load %arg8[%get3A_576] {strides = array<i32>} : memref<512xi32, #tpu.memory_space<vmem>>, vector<16xi32>,
    %get3A_578 = arith.constant 272 : index
    %get3A_579 = tpu.vector_load %arg9[%get3A_578] {strides = array<i32>} : memref<512xi32, #tpu.memory_space<vmem>>, vector<16xi32>,
    %shift_right_arithmetic3A_580 = arith.constant 14 : i32
    %shift_right_arithmetic3A_581 = vector.broadcast %shift_right_arithmetic3A_580 : i32 to vector<16xi32>
    %shift_right_arithmetic3A_582 = arith.shrsi %get3A_577, %shift_right_arithmetic3A_581 : vector<16xi32>
    %shift_left3A_583 = arith.constant 11 : i32
    %shift_left3A_584 = vector.broadcast %shift_left3A_583 : i32 to vector<16xi32>
    %shift_left3A_585 = arith.shli %shift_right_arithmetic3A_582, %shift_left3A_584 : vector<16xi32>
    %and3A_586 = arith.constant 4095 : i32
    %and3A_587 = vector.broadcast %and3A_586 : i32 to vector<16xi32>
    %and3A_588 = arith.andi %get3A_577, %and3A_587 : vector<16xi32>
    %shift_right_arithmetic3A_589 = arith.constant 1 : i32
    %shift_right_arithmetic3A_590 = vector.broadcast %shift_right_arithmetic3A_589 : i32 to vector<16xi32>
    %shift_right_arithmetic3A_591 = arith.shrsi %and3A_588, %shift_right_arithmetic3A_590 : vector<16xi32>
    %add3A_592 = arith.addi %shift_left3A_585, %shift_right_arithmetic3A_591 : vector<16xi32>
    %swap3A_593 = arith.constant 272 : index
    %swap3A_594 = tpu.vector_load %arg10[%swap3A_593] {strides = array<i32>} : memref<512xi32, #tpu.memory_space<vmem>>, vector<16xi32>,
    tpu.vector_store %arg10[%swap3A_593], %add3A_592 {strides = array<i32>} : memref<512xi32, #tpu.memory_space<vmem>>, vector<16xi32>,
    %shift_right_arithmetic3A_595 = arith.constant 14 : i32
    %shift_right_arithmetic3A_596 = vector.broadcast %shift_right_arithmetic3A_595 : i32 to vector<16xi32>
    %shift_right_arithmetic3A_597 = arith.shrsi %get3A_579, %shift_right_arithmetic3A_596 : vector<16xi32>
    %shift_left3A_598 = arith.constant 11 : i32
    %shift_left3A_599 = vector.broadcast %shift_left3A_598 : i32 to vector<16xi32>
    %shift_left3A_600 = arith.shli %shift_right_arithmetic3A_597, %shift_left3A_599 : vector<16xi32>
    %and3A_601 = arith.constant 4095 : i32
    %and3A_602 = vector.broadcast %and3A_601 : i32 to vector<16xi32>
    %and3A_603 = arith.andi %get3A_579, %and3A_602 : vector<16xi32>
    %shift_right_arithmetic3A_604 = arith.constant 1 : i32
    %shift_right_arithmetic3A_605 = vector.broadcast %shift_right_arithmetic3A_604 : i32 to vector<16xi32>
    %shift_right_arithmetic3A_606 = arith.shrsi %and3A_603, %shift_right_arithmetic3A_605 : vector<16xi32>
    %add3A_607 = arith.addi %shift_left3A_600, %shift_right_arithmetic3A_606 : vector<16xi32>
    %swap3A_608 = arith.constant 272 : index
    %swap3A_609 = tpu.vector_load %arg11[%swap3A_608] {strides = array<i32>} : memref<512xi32, #tpu.memory_space<vmem>>, vector<16xi32>,
    tpu.vector_store %arg11[%swap3A_608], %add3A_607 {strides = array<i32>} : memref<512xi32, #tpu.memory_space<vmem>>, vector<16xi32>,
    %get3A_610 = arith.constant 288 : index
    %get3A_611 = tpu.vector_load %arg8[%get3A_610] {strides = array<i32>} : memref<512xi32, #tpu.memory_space<vmem>>, vector<16xi32>,
    %get3A_612 = arith.constant 288 : index
    %get3A_613 = tpu.vector_load %arg9[%get3A_612] {strides = array<i32>} : memref<512xi32, #tpu.memory_space<vmem>>, vector<16xi32>,
    %shift_right_arithmetic3A_614 = arith.constant 14 : i32
    %shift_right_arithmetic3A_615 = vector.broadcast %shift_right_arithmetic3A_614 : i32 to vector<16xi32>
    %shift_right_arithmetic3A_616 = arith.shrsi %get3A_611, %shift_right_arithmetic3A_615 : vector<16xi32>
    %shift_left3A_617 = arith.constant 11 : i32
    %shift_left3A_618 = vector.broadcast %shift_left3A_617 : i32 to vector<16xi32>
    %shift_left3A_619 = arith.shli %shift_right_arithmetic3A_616, %shift_left3A_618 : vector<16xi32>
    %and3A_620 = arith.constant 4095 : i32
    %and3A_621 = vector.broadcast %and3A_620 : i32 to vector<16xi32>
    %and3A_622 = arith.andi %get3A_611, %and3A_621 : vector<16xi32>
    %shift_right_arithmetic3A_623 = arith.constant 1 : i32
    %shift_right_arithmetic3A_624 = vector.broadcast %shift_right_arithmetic3A_623 : i32 to vector<16xi32>
    %shift_right_arithmetic3A_625 = arith.shrsi %and3A_622, %shift_right_arithmetic3A_624 : vector<16xi32>
    %add3A_626 = arith.addi %shift_left3A_619, %shift_right_arithmetic3A_625 : vector<16xi32>
    %swap3A_627 = arith.constant 288 : index
    %swap3A_628 = tpu.vector_load %arg10[%swap3A_627] {strides = array<i32>} : memref<512xi32, #tpu.memory_space<vmem>>, vector<16xi32>,
    tpu.vector_store %arg10[%swap3A_627], %add3A_626 {strides = array<i32>} : memref<512xi32, #tpu.memory_space<vmem>>, vector<16xi32>,
    %shift_right_arithmetic3A_629 = arith.constant 14 : i32
    %shift_right_arithmetic3A_630 = vector.broadcast %shift_right_arithmetic3A_629 : i32 to vector<16xi32>
    %shift_right_arithmetic3A_631 = arith.shrsi %get3A_613, %shift_right_arithmetic3A_630 : vector<16xi32>
    %shift_left3A_632 = arith.constant 11 : i32
    %shift_left3A_633 = vector.broadcast %shift_left3A_632 : i32 to vector<16xi32>
    %shift_left3A_634 = arith.shli %shift_right_arithmetic3A_631, %shift_left3A_633 : vector<16xi32>
    %and3A_635 = arith.constant 4095 : i32
    %and3A_636 = vector.broadcast %and3A_635 : i32 to vector<16xi32>
    %and3A_637 = arith.andi %get3A_613, %and3A_636 : vector<16xi32>
    %shift_right_arithmetic3A_638 = arith.constant 1 : i32
    %shift_right_arithmetic3A_639 = vector.broadcast %shift_right_arithmetic3A_638 : i32 to vector<16xi32>
    %shift_right_arithmetic3A_640 = arith.shrsi %and3A_637, %shift_right_arithmetic3A_639 : vector<16xi32>
    %add3A_641 = arith.addi %shift_left3A_634, %shift_right_arithmetic3A_640 : vector<16xi32>
    %swap3A_642 = arith.constant 288 : index
    %swap3A_643 = tpu.vector_load %arg11[%swap3A_642] {strides = array<i32>} : memref<512xi32, #tpu.memory_space<vmem>>, vector<16xi32>,
    tpu.vector_store %arg11[%swap3A_642], %add3A_641 {strides = array<i32>} : memref<512xi32, #tpu.memory_space<vmem>>, vector<16xi32>,
    %get3A_644 = arith.constant 304 : index
    %get3A_645 = tpu.vector_load %arg8[%get3A_644] {strides = array<i32>} : memref<512xi32, #tpu.memory_space<vmem>>, vector<16xi32>,
    %get3A_646 = arith.constant 304 : index
    %get3A_647 = tpu.vector_load %arg9[%get3A_646] {strides = array<i32>} : memref<512xi32, #tpu.memory_space<vmem>>, vector<16xi32>,
    %shift_right_arithmetic3A_648 = arith.constant 14 : i32
    %shift_right_arithmetic3A_649 = vector.broadcast %shift_right_arithmetic3A_648 : i32 to vector<16xi32>
    %shift_right_arithmetic3A_650 = arith.shrsi %get3A_645, %shift_right_arithmetic3A_649 : vector<16xi32>
    %shift_left3A_651 = arith.constant 11 : i32
    %shift_left3A_652 = vector.broadcast %shift_left3A_651 : i32 to vector<16xi32>
    %shift_left3A_653 = arith.shli %shift_right_arithmetic3A_650, %shift_left3A_652 : vector<16xi32>
    %and3A_654 = arith.constant 4095 : i32
    %and3A_655 = vector.broadcast %and3A_654 : i32 to vector<16xi32>
    %and3A_656 = arith.andi %get3A_645, %and3A_655 : vector<16xi32>
    %shift_right_arithmetic3A_657 = arith.constant 1 : i32
    %shift_right_arithmetic3A_658 = vector.broadcast %shift_right_arithmetic3A_657 : i32 to vector<16xi32>
    %shift_right_arithmetic3A_659 = arith.shrsi %and3A_656, %shift_right_arithmetic3A_658 : vector<16xi32>
    %add3A_660 = arith.addi %shift_left3A_653, %shift_right_arithmetic3A_659 : vector<16xi32>
    %swap3A_661 = arith.constant 304 : index
    %swap3A_662 = tpu.vector_load %arg10[%swap3A_661] {strides = array<i32>} : memref<512xi32, #tpu.memory_space<vmem>>, vector<16xi32>,
    tpu.vector_store %arg10[%swap3A_661], %add3A_660 {strides = array<i32>} : memref<512xi32, #tpu.memory_space<vmem>>, vector<16xi32>,
    %shift_right_arithmetic3A_663 = arith.constant 14 : i32
    %shift_right_arithmetic3A_664 = vector.broadcast %shift_right_arithmetic3A_663 : i32 to vector<16xi32>
    %shift_right_arithmetic3A_665 = arith.shrsi %get3A_647, %shift_right_arithmetic3A_664 : vector<16xi32>
    %shift_left3A_666 = arith.constant 11 : i32
    %shift_left3A_667 = vector.broadcast %shift_left3A_666 : i32 to vector<16xi32>
    %shift_left3A_668 = arith.shli %shift_right_arithmetic3A_665, %shift_left3A_667 : vector<16xi32>
    %and3A_669 = arith.constant 4095 : i32
    %and3A_670 = vector.broadcast %and3A_669 : i32 to vector<16xi32>
    %and3A_671 = arith.andi %get3A_647, %and3A_670 : vector<16xi32>
    %shift_right_arithmetic3A_672 = arith.constant 1 : i32
    %shift_right_arithmetic3A_673 = vector.broadcast %shift_right_arithmetic3A_672 : i32 to vector<16xi32>
    %shift_right_arithmetic3A_674 = arith.shrsi %and3A_671, %shift_right_arithmetic3A_673 : vector<16xi32>
    %add3A_675 = arith.addi %shift_left3A_668, %shift_right_arithmetic3A_674 : vector<16xi32>
    %swap3A_676 = arith.constant 304 : index
    %swap3A_677 = tpu.vector_load %arg11[%swap3A_676] {strides = array<i32>} : memref<512xi32, #tpu.memory_space<vmem>>, vector<16xi32>,
    tpu.vector_store %arg11[%swap3A_676], %add3A_675 {strides = array<i32>} : memref<512xi32, #tpu.memory_space<vmem>>, vector<16xi32>,
    %get3A_678 = arith.constant 320 : index
    %get3A_679 = tpu.vector_load %arg8[%get3A_678] {strides = array<i32>} : memref<512xi32, #tpu.memory_space<vmem>>, vector<16xi32>,
    %get3A_680 = arith.constant 320 : index
    %get3A_681 = tpu.vector_load %arg9[%get3A_680] {strides = array<i32>} : memref<512xi32, #tpu.memory_space<vmem>>, vector<16xi32>,
    %shift_right_arithmetic3A_682 = arith.constant 14 : i32
    %shift_right_arithmetic3A_683 = vector.broadcast %shift_right_arithmetic3A_682 : i32 to vector<16xi32>
    %shift_right_arithmetic3A_684 = arith.shrsi %get3A_679, %shift_right_arithmetic3A_683 : vector<16xi32>
    %shift_left3A_685 = arith.constant 11 : i32
    %shift_left3A_686 = vector.broadcast %shift_left3A_685 : i32 to vector<16xi32>
    %shift_left3A_687 = arith.shli %shift_right_arithmetic3A_684, %shift_left3A_686 : vector<16xi32>
    %and3A_688 = arith.constant 4095 : i32
    %and3A_689 = vector.broadcast %and3A_688 : i32 to vector<16xi32>
    %and3A_690 = arith.andi %get3A_679, %and3A_689 : vector<16xi32>
    %shift_right_arithmetic3A_691 = arith.constant 1 : i32
    %shift_right_arithmetic3A_692 = vector.broadcast %shift_right_arithmetic3A_691 : i32 to vector<16xi32>
    %shift_right_arithmetic3A_693 = arith.shrsi %and3A_690, %shift_right_arithmetic3A_692 : vector<16xi32>
    %add3A_694 = arith.addi %shift_left3A_687, %shift_right_arithmetic3A_693 : vector<16xi32>
    %swap3A_695 = arith.constant 320 : index
    %swap3A_696 = tpu.vector_load %arg10[%swap3A_695] {strides = array<i32>} : memref<512xi32, #tpu.memory_space<vmem>>, vector<16xi32>,
    tpu.vector_store %arg10[%swap3A_695], %add3A_694 {strides = array<i32>} : memref<512xi32, #tpu.memory_space<vmem>>, vector<16xi32>,
    %shift_right_arithmetic3A_697 = arith.constant 14 : i32
    %shift_right_arithmetic3A_698 = vector.broadcast %shift_right_arithmetic3A_697 : i32 to vector<16xi32>
    %shift_right_arithmetic3A_699 = arith.shrsi %get3A_681, %shift_right_arithmetic3A_698 : vector<16xi32>
    %shift_left3A_700 = arith.constant 11 : i32
    %shift_left3A_701 = vector.broadcast %shift_left3A_700 : i32 to vector<16xi32>
    %shift_left3A_702 = arith.shli %shift_right_arithmetic3A_699, %shift_left3A_701 : vector<16xi32>
    %and3A_703 = arith.constant 4095 : i32
    %and3A_704 = vector.broadcast %and3A_703 : i32 to vector<16xi32>
    %and3A_705 = arith.andi %get3A_681, %and3A_704 : vector<16xi32>
    %shift_right_arithmetic3A_706 = arith.constant 1 : i32
    %shift_right_arithmetic3A_707 = vector.broadcast %shift_right_arithmetic3A_706 : i32 to vector<16xi32>
    %shift_right_arithmetic3A_708 = arith.shrsi %and3A_705, %shift_right_arithmetic3A_707 : vector<16xi32>
    %add3A_709 = arith.addi %shift_left3A_702, %shift_right_arithmetic3A_708 : vector<16xi32>
    %swap3A_710 = arith.constant 320 : index
    %swap3A_711 = tpu.vector_load %arg11[%swap3A_710] {strides = array<i32>} : memref<512xi32, #tpu.memory_space<vmem>>, vector<16xi32>,
    tpu.vector_store %arg11[%swap3A_710], %add3A_709 {strides = array<i32>} : memref<512xi32, #tpu.memory_space<vmem>>, vector<16xi32>,
    %get3A_712 = arith.constant 336 : index
    %get3A_713 = tpu.vector_load %arg8[%get3A_712] {strides = array<i32>} : memref<512xi32, #tpu.memory_space<vmem>>, vector<16xi32>,
    %get3A_714 = arith.constant 336 : index
    %get3A_715 = tpu.vector_load %arg9[%get3A_714] {strides = array<i32>} : memref<512xi32, #tpu.memory_space<vmem>>, vector<16xi32>,
    %shift_right_arithmetic3A_716 = arith.constant 14 : i32
    %shift_right_arithmetic3A_717 = vector.broadcast %shift_right_arithmetic3A_716 : i32 to vector<16xi32>
    %shift_right_arithmetic3A_718 = arith.shrsi %get3A_713, %shift_right_arithmetic3A_717 : vector<16xi32>
    %shift_left3A_719 = arith.constant 11 : i32
    %shift_left3A_720 = vector.broadcast %shift_left3A_719 : i32 to vector<16xi32>
    %shift_left3A_721 = arith.shli %shift_right_arithmetic3A_718, %shift_left3A_720 : vector<16xi32>
    %and3A_722 = arith.constant 4095 : i32
    %and3A_723 = vector.broadcast %and3A_722 : i32 to vector<16xi32>
    %and3A_724 = arith.andi %get3A_713, %and3A_723 : vector<16xi32>
    %shift_right_arithmetic3A_725 = arith.constant 1 : i32
    %shift_right_arithmetic3A_726 = vector.broadcast %shift_right_arithmetic3A_725 : i32 to vector<16xi32>
    %shift_right_arithmetic3A_727 = arith.shrsi %and3A_724, %shift_right_arithmetic3A_726 : vector<16xi32>
    %add3A_728 = arith.addi %shift_left3A_721, %shift_right_arithmetic3A_727 : vector<16xi32>
    %swap3A_729 = arith.constant 336 : index
    %swap3A_730 = tpu.vector_load %arg10[%swap3A_729] {strides = array<i32>} : memref<512xi32, #tpu.memory_space<vmem>>, vector<16xi32>,
    tpu.vector_store %arg10[%swap3A_729], %add3A_728 {strides = array<i32>} : memref<512xi32, #tpu.memory_space<vmem>>, vector<16xi32>,
    %shift_right_arithmetic3A_731 = arith.constant 14 : i32
    %shift_right_arithmetic3A_732 = vector.broadcast %shift_right_arithmetic3A_731 : i32 to vector<16xi32>
    %shift_right_arithmetic3A_733 = arith.shrsi %get3A_715, %shift_right_arithmetic3A_732 : vector<16xi32>
    %shift_left3A_734 = arith.constant 11 : i32
    %shift_left3A_735 = vector.broadcast %shift_left3A_734 : i32 to vector<16xi32>
    %shift_left3A_736 = arith.shli %shift_right_arithmetic3A_733, %shift_left3A_735 : vector<16xi32>
    %and3A_737 = arith.constant 4095 : i32
    %and3A_738 = vector.broadcast %and3A_737 : i32 to vector<16xi32>
    %and3A_739 = arith.andi %get3A_715, %and3A_738 : vector<16xi32>
    %shift_right_arithmetic3A_740 = arith.constant 1 : i32
    %shift_right_arithmetic3A_741 = vector.broadcast %shift_right_arithmetic3A_740 : i32 to vector<16xi32>
    %shift_right_arithmetic3A_742 = arith.shrsi %and3A_739, %shift_right_arithmetic3A_741 : vector<16xi32>
    %add3A_743 = arith.addi %shift_left3A_736, %shift_right_arithmetic3A_742 : vector<16xi32>
    %swap3A_744 = arith.constant 336 : index
    %swap3A_745 = tpu.vector_load %arg11[%swap3A_744] {strides = array<i32>} : memref<512xi32, #tpu.memory_space<vmem>>, vector<16xi32>,
    tpu.vector_store %arg11[%swap3A_744], %add3A_743 {strides = array<i32>} : memref<512xi32, #tpu.memory_space<vmem>>, vector<16xi32>,
    %get3A_746 = arith.constant 352 : index
    %get3A_747 = tpu.vector_load %arg8[%get3A_746] {strides = array<i32>} : memref<512xi32, #tpu.memory_space<vmem>>, vector<16xi32>,
    %get3A_748 = arith.constant 352 : index
    %get3A_749 = tpu.vector_load %arg9[%get3A_748] {strides = array<i32>} : memref<512xi32, #tpu.memory_space<vmem>>, vector<16xi32>,
    %shift_right_arithmetic3A_750 = arith.constant 14 : i32
    %shift_right_arithmetic3A_751 = vector.broadcast %shift_right_arithmetic3A_750 : i32 to vector<16xi32>
    %shift_right_arithmetic3A_752 = arith.shrsi %get3A_747, %shift_right_arithmetic3A_751 : vector<16xi32>
    %shift_left3A_753 = arith.constant 11 : i32
    %shift_left3A_754 = vector.broadcast %shift_left3A_753 : i32 to vector<16xi32>
    %shift_left3A_755 = arith.shli %shift_right_arithmetic3A_752, %shift_left3A_754 : vector<16xi32>
    %and3A_756 = arith.constant 4095 : i32
    %and3A_757 = vector.broadcast %and3A_756 : i32 to vector<16xi32>
    %and3A_758 = arith.andi %get3A_747, %and3A_757 : vector<16xi32>
    %shift_right_arithmetic3A_759 = arith.constant 1 : i32
    %shift_right_arithmetic3A_760 = vector.broadcast %shift_right_arithmetic3A_759 : i32 to vector<16xi32>
    %shift_right_arithmetic3A_761 = arith.shrsi %and3A_758, %shift_right_arithmetic3A_760 : vector<16xi32>
    %add3A_762 = arith.addi %shift_left3A_755, %shift_right_arithmetic3A_761 : vector<16xi32>
    %swap3A_763 = arith.constant 352 : index
    %swap3A_764 = tpu.vector_load %arg10[%swap3A_763] {strides = array<i32>} : memref<512xi32, #tpu.memory_space<vmem>>, vector<16xi32>,
    tpu.vector_store %arg10[%swap3A_763], %add3A_762 {strides = array<i32>} : memref<512xi32, #tpu.memory_space<vmem>>, vector<16xi32>,
    %shift_right_arithmetic3A_765 = arith.constant 14 : i32
    %shift_right_arithmetic3A_766 = vector.broadcast %shift_right_arithmetic3A_765 : i32 to vector<16xi32>
    %shift_right_arithmetic3A_767 = arith.shrsi %get3A_749, %shift_right_arithmetic3A_766 : vector<16xi32>
    %shift_left3A_768 = arith.constant 11 : i32
    %shift_left3A_769 = vector.broadcast %shift_left3A_768 : i32 to vector<16xi32>
    %shift_left3A_770 = arith.shli %shift_right_arithmetic3A_767, %shift_left3A_769 : vector<16xi32>
    %and3A_771 = arith.constant 4095 : i32
    %and3A_772 = vector.broadcast %and3A_771 : i32 to vector<16xi32>
    %and3A_773 = arith.andi %get3A_749, %and3A_772 : vector<16xi32>
    %shift_right_arithmetic3A_774 = arith.constant 1 : i32
    %shift_right_arithmetic3A_775 = vector.broadcast %shift_right_arithmetic3A_774 : i32 to vector<16xi32>
    %shift_right_arithmetic3A_776 = arith.shrsi %and3A_773, %shift_right_arithmetic3A_775 : vector<16xi32>
    %add3A_777 = arith.addi %shift_left3A_770, %shift_right_arithmetic3A_776 : vector<16xi32>
    %swap3A_778 = arith.constant 352 : index
    %swap3A_779 = tpu.vector_load %arg11[%swap3A_778] {strides = array<i32>} : memref<512xi32, #tpu.memory_space<vmem>>, vector<16xi32>,
    tpu.vector_store %arg11[%swap3A_778], %add3A_777 {strides = array<i32>} : memref<512xi32, #tpu.memory_space<vmem>>, vector<16xi32>,
    %get3A_780 = arith.constant 368 : index
    %get3A_781 = tpu.vector_load %arg8[%get3A_780] {strides = array<i32>} : memref<512xi32, #tpu.memory_space<vmem>>, vector<16xi32>,
    %get3A_782 = arith.constant 368 : index
    %get3A_783 = tpu.vector_load %arg9[%get3A_782] {strides = array<i32>} : memref<512xi32, #tpu.memory_space<vmem>>, vector<16xi32>,
    %shift_right_arithmetic3A_784 = arith.constant 14 : i32
    %shift_right_arithmetic3A_785 = vector.broadcast %shift_right_arithmetic3A_784 : i32 to vector<16xi32>
    %shift_right_arithmetic3A_786 = arith.shrsi %get3A_781, %shift_right_arithmetic3A_785 : vector<16xi32>
    %shift_left3A_787 = arith.constant 11 : i32
    %shift_left3A_788 = vector.broadcast %shift_left3A_787 : i32 to vector<16xi32>
    %shift_left3A_789 = arith.shli %shift_right_arithmetic3A_786, %shift_left3A_788 : vector<16xi32>
    %and3A_790 = arith.constant 4095 : i32
    %and3A_791 = vector.broadcast %and3A_790 : i32 to vector<16xi32>
    %and3A_792 = arith.andi %get3A_781, %and3A_791 : vector<16xi32>
    %shift_right_arithmetic3A_793 = arith.constant 1 : i32
    %shift_right_arithmetic3A_794 = vector.broadcast %shift_right_arithmetic3A_793 : i32 to vector<16xi32>
    %shift_right_arithmetic3A_795 = arith.shrsi %and3A_792, %shift_right_arithmetic3A_794 : vector<16xi32>
    %add3A_796 = arith.addi %shift_left3A_789, %shift_right_arithmetic3A_795 : vector<16xi32>
    %swap3A_797 = arith.constant 368 : index
    %swap3A_798 = tpu.vector_load %arg10[%swap3A_797] {strides = array<i32>} : memref<512xi32, #tpu.memory_space<vmem>>, vector<16xi32>,
    tpu.vector_store %arg10[%swap3A_797], %add3A_796 {strides = array<i32>} : memref<512xi32, #tpu.memory_space<vmem>>, vector<16xi32>,
    %shift_right_arithmetic3A_799 = arith.constant 14 : i32
    %shift_right_arithmetic3A_800 = vector.broadcast %shift_right_arithmetic3A_799 : i32 to vector<16xi32>
    %shift_right_arithmetic3A_801 = arith.shrsi %get3A_783, %shift_right_arithmetic3A_800 : vector<16xi32>
    %shift_left3A_802 = arith.constant 11 : i32
    %shift_left3A_803 = vector.broadcast %shift_left3A_802 : i32 to vector<16xi32>
    %shift_left3A_804 = arith.shli %shift_right_arithmetic3A_801, %shift_left3A_803 : vector<16xi32>
    %and3A_805 = arith.constant 4095 : i32
    %and3A_806 = vector.broadcast %and3A_805 : i32 to vector<16xi32>
    %and3A_807 = arith.andi %get3A_783, %and3A_806 : vector<16xi32>
    %shift_right_arithmetic3A_808 = arith.constant 1 : i32
    %shift_right_arithmetic3A_809 = vector.broadcast %shift_right_arithmetic3A_808 : i32 to vector<16xi32>
    %shift_right_arithmetic3A_810 = arith.shrsi %and3A_807, %shift_right_arithmetic3A_809 : vector<16xi32>
    %add3A_811 = arith.addi %shift_left3A_804, %shift_right_arithmetic3A_810 : vector<16xi32>
    %swap3A_812 = arith.constant 368 : index
    %swap3A_813 = tpu.vector_load %arg11[%swap3A_812] {strides = array<i32>} : memref<512xi32, #tpu.memory_space<vmem>>, vector<16xi32>,
    tpu.vector_store %arg11[%swap3A_812], %add3A_811 {strides = array<i32>} : memref<512xi32, #tpu.memory_space<vmem>>, vector<16xi32>,
    %get3A_814 = arith.constant 384 : index
    %get3A_815 = tpu.vector_load %arg8[%get3A_814] {strides = array<i32>} : memref<512xi32, #tpu.memory_space<vmem>>, vector<16xi32>,
    %get3A_816 = arith.constant 384 : index
    %get3A_817 = tpu.vector_load %arg9[%get3A_816] {strides = array<i32>} : memref<512xi32, #tpu.memory_space<vmem>>, vector<16xi32>,
    %shift_right_arithmetic3A_818 = arith.constant 14 : i32
    %shift_right_arithmetic3A_819 = vector.broadcast %shift_right_arithmetic3A_818 : i32 to vector<16xi32>
    %shift_right_arithmetic3A_820 = arith.shrsi %get3A_815, %shift_right_arithmetic3A_819 : vector<16xi32>
    %shift_left3A_821 = arith.constant 11 : i32
    %shift_left3A_822 = vector.broadcast %shift_left3A_821 : i32 to vector<16xi32>
    %shift_left3A_823 = arith.shli %shift_right_arithmetic3A_820, %shift_left3A_822 : vector<16xi32>
    %and3A_824 = arith.constant 4095 : i32
    %and3A_825 = vector.broadcast %and3A_824 : i32 to vector<16xi32>
    %and3A_826 = arith.andi %get3A_815, %and3A_825 : vector<16xi32>
    %shift_right_arithmetic3A_827 = arith.constant 1 : i32
    %shift_right_arithmetic3A_828 = vector.broadcast %shift_right_arithmetic3A_827 : i32 to vector<16xi32>
    %shift_right_arithmetic3A_829 = arith.shrsi %and3A_826, %shift_right_arithmetic3A_828 : vector<16xi32>
    %add3A_830 = arith.addi %shift_left3A_823, %shift_right_arithmetic3A_829 : vector<16xi32>
    %swap3A_831 = arith.constant 384 : index
    %swap3A_832 = tpu.vector_load %arg10[%swap3A_831] {strides = array<i32>} : memref<512xi32, #tpu.memory_space<vmem>>, vector<16xi32>,
    tpu.vector_store %arg10[%swap3A_831], %add3A_830 {strides = array<i32>} : memref<512xi32, #tpu.memory_space<vmem>>, vector<16xi32>,
    %shift_right_arithmetic3A_833 = arith.constant 14 : i32
    %shift_right_arithmetic3A_834 = vector.broadcast %shift_right_arithmetic3A_833 : i32 to vector<16xi32>
    %shift_right_arithmetic3A_835 = arith.shrsi %get3A_817, %shift_right_arithmetic3A_834 : vector<16xi32>
    %shift_left3A_836 = arith.constant 11 : i32
    %shift_left3A_837 = vector.broadcast %shift_left3A_836 : i32 to vector<16xi32>
    %shift_left3A_838 = arith.shli %shift_right_arithmetic3A_835, %shift_left3A_837 : vector<16xi32>
    %and3A_839 = arith.constant 4095 : i32
    %and3A_840 = vector.broadcast %and3A_839 : i32 to vector<16xi32>
    %and3A_841 = arith.andi %get3A_817, %and3A_840 : vector<16xi32>
    %shift_right_arithmetic3A_842 = arith.constant 1 : i32
    %shift_right_arithmetic3A_843 = vector.broadcast %shift_right_arithmetic3A_842 : i32 to vector<16xi32>
    %shift_right_arithmetic3A_844 = arith.shrsi %and3A_841, %shift_right_arithmetic3A_843 : vector<16xi32>
    %add3A_845 = arith.addi %shift_left3A_838, %shift_right_arithmetic3A_844 : vector<16xi32>
    %swap3A_846 = arith.constant 384 : index
    %swap3A_847 = tpu.vector_load %arg11[%swap3A_846] {strides = array<i32>} : memref<512xi32, #tpu.memory_space<vmem>>, vector<16xi32>,
    tpu.vector_store %arg11[%swap3A_846], %add3A_845 {strides = array<i32>} : memref<512xi32, #tpu.memory_space<vmem>>, vector<16xi32>,
    %get3A_848 = arith.constant 400 : index
    %get3A_849 = tpu.vector_load %arg8[%get3A_848] {strides = array<i32>} : memref<512xi32, #tpu.memory_space<vmem>>, vector<16xi32>,
    %get3A_850 = arith.constant 400 : index
    %get3A_851 = tpu.vector_load %arg9[%get3A_850] {strides = array<i32>} : memref<512xi32, #tpu.memory_space<vmem>>, vector<16xi32>,
    %shift_right_arithmetic3A_852 = arith.constant 14 : i32
    %shift_right_arithmetic3A_853 = vector.broadcast %shift_right_arithmetic3A_852 : i32 to vector<16xi32>
    %shift_right_arithmetic3A_854 = arith.shrsi %get3A_849, %shift_right_arithmetic3A_853 : vector<16xi32>
    %shift_left3A_855 = arith.constant 11 : i32
    %shift_left3A_856 = vector.broadcast %shift_left3A_855 : i32 to vector<16xi32>
    %shift_left3A_857 = arith.shli %shift_right_arithmetic3A_854, %shift_left3A_856 : vector<16xi32>
    %and3A_858 = arith.constant 4095 : i32
    %and3A_859 = vector.broadcast %and3A_858 : i32 to vector<16xi32>
    %and3A_860 = arith.andi %get3A_849, %and3A_859 : vector<16xi32>
    %shift_right_arithmetic3A_861 = arith.constant 1 : i32
    %shift_right_arithmetic3A_862 = vector.broadcast %shift_right_arithmetic3A_861 : i32 to vector<16xi32>
    %shift_right_arithmetic3A_863 = arith.shrsi %and3A_860, %shift_right_arithmetic3A_862 : vector<16xi32>
    %add3A_864 = arith.addi %shift_left3A_857, %shift_right_arithmetic3A_863 : vector<16xi32>
    %swap3A_865 = arith.constant 400 : index
    %swap3A_866 = tpu.vector_load %arg10[%swap3A_865] {strides = array<i32>} : memref<512xi32, #tpu.memory_space<vmem>>, vector<16xi32>,
    tpu.vector_store %arg10[%swap3A_865], %add3A_864 {strides = array<i32>} : memref<512xi32, #tpu.memory_space<vmem>>, vector<16xi32>,
    %shift_right_arithmetic3A_867 = arith.constant 14 : i32
    %shift_right_arithmetic3A_868 = vector.broadcast %shift_right_arithmetic3A_867 : i32 to vector<16xi32>
    %shift_right_arithmetic3A_869 = arith.shrsi %get3A_851, %shift_right_arithmetic3A_868 : vector<16xi32>
    %shift_left3A_870 = arith.constant 11 : i32
    %shift_left3A_871 = vector.broadcast %shift_left3A_870 : i32 to vector<16xi32>
    %shift_left3A_872 = arith.shli %shift_right_arithmetic3A_869, %shift_left3A_871 : vector<16xi32>
    %and3A_873 = arith.constant 4095 : i32
    %and3A_874 = vector.broadcast %and3A_873 : i32 to vector<16xi32>
    %and3A_875 = arith.andi %get3A_851, %and3A_874 : vector<16xi32>
    %shift_right_arithmetic3A_876 = arith.constant 1 : i32
    %shift_right_arithmetic3A_877 = vector.broadcast %shift_right_arithmetic3A_876 : i32 to vector<16xi32>
    %shift_right_arithmetic3A_878 = arith.shrsi %and3A_875, %shift_right_arithmetic3A_877 : vector<16xi32>
    %add3A_879 = arith.addi %shift_left3A_872, %shift_right_arithmetic3A_878 : vector<16xi32>
    %swap3A_880 = arith.constant 400 : index
    %swap3A_881 = tpu.vector_load %arg11[%swap3A_880] {strides = array<i32>} : memref<512xi32, #tpu.memory_space<vmem>>, vector<16xi32>,
    tpu.vector_store %arg11[%swap3A_880], %add3A_879 {strides = array<i32>} : memref<512xi32, #tpu.memory_space<vmem>>, vector<16xi32>,
    %get3A_882 = arith.constant 416 : index
    %get3A_883 = tpu.vector_load %arg8[%get3A_882] {strides = array<i32>} : memref<512xi32, #tpu.memory_space<vmem>>, vector<16xi32>,
    %get3A_884 = arith.constant 416 : index
    %get3A_885 = tpu.vector_load %arg9[%get3A_884] {strides = array<i32>} : memref<512xi32, #tpu.memory_space<vmem>>, vector<16xi32>,
    %shift_right_arithmetic3A_886 = arith.constant 14 : i32
    %shift_right_arithmetic3A_887 = vector.broadcast %shift_right_arithmetic3A_886 : i32 to vector<16xi32>
    %shift_right_arithmetic3A_888 = arith.shrsi %get3A_883, %shift_right_arithmetic3A_887 : vector<16xi32>
    %shift_left3A_889 = arith.constant 11 : i32
    %shift_left3A_890 = vector.broadcast %shift_left3A_889 : i32 to vector<16xi32>
    %shift_left3A_891 = arith.shli %shift_right_arithmetic3A_888, %shift_left3A_890 : vector<16xi32>
    %and3A_892 = arith.constant 4095 : i32
    %and3A_893 = vector.broadcast %and3A_892 : i32 to vector<16xi32>
    %and3A_894 = arith.andi %get3A_883, %and3A_893 : vector<16xi32>
    %shift_right_arithmetic3A_895 = arith.constant 1 : i32
    %shift_right_arithmetic3A_896 = vector.broadcast %shift_right_arithmetic3A_895 : i32 to vector<16xi32>
    %shift_right_arithmetic3A_897 = arith.shrsi %and3A_894, %shift_right_arithmetic3A_896 : vector<16xi32>
    %add3A_898 = arith.addi %shift_left3A_891, %shift_right_arithmetic3A_897 : vector<16xi32>
    %swap3A_899 = arith.constant 416 : index
    %swap3A_900 = tpu.vector_load %arg10[%swap3A_899] {strides = array<i32>} : memref<512xi32, #tpu.memory_space<vmem>>, vector<16xi32>,
    tpu.vector_store %arg10[%swap3A_899], %add3A_898 {strides = array<i32>} : memref<512xi32, #tpu.memory_space<vmem>>, vector<16xi32>,
    %shift_right_arithmetic3A_901 = arith.constant 14 : i32
    %shift_right_arithmetic3A_902 = vector.broadcast %shift_right_arithmetic3A_901 : i32 to vector<16xi32>
    %shift_right_arithmetic3A_903 = arith.shrsi %get3A_885, %shift_right_arithmetic3A_902 : vector<16xi32>
    %shift_left3A_904 = arith.constant 11 : i32
    %shift_left3A_905 = vector.broadcast %shift_left3A_904 : i32 to vector<16xi32>
    %shift_left3A_906 = arith.shli %shift_right_arithmetic3A_903, %shift_left3A_905 : vector<16xi32>
    %and3A_907 = arith.constant 4095 : i32
    %and3A_908 = vector.broadcast %and3A_907 : i32 to vector<16xi32>
    %and3A_909 = arith.andi %get3A_885, %and3A_908 : vector<16xi32>
    %shift_right_arithmetic3A_910 = arith.constant 1 : i32
    %shift_right_arithmetic3A_911 = vector.broadcast %shift_right_arithmetic3A_910 : i32 to vector<16xi32>
    %shift_right_arithmetic3A_912 = arith.shrsi %and3A_909, %shift_right_arithmetic3A_911 : vector<16xi32>
    %add3A_913 = arith.addi %shift_left3A_906, %shift_right_arithmetic3A_912 : vector<16xi32>
    %swap3A_914 = arith.constant 416 : index
    %swap3A_915 = tpu.vector_load %arg11[%swap3A_914] {strides = array<i32>} : memref<512xi32, #tpu.memory_space<vmem>>, vector<16xi32>,
    tpu.vector_store %arg11[%swap3A_914], %add3A_913 {strides = array<i32>} : memref<512xi32, #tpu.memory_space<vmem>>, vector<16xi32>,
    %get3A_916 = arith.constant 432 : index
    %get3A_917 = tpu.vector_load %arg8[%get3A_916] {strides = array<i32>} : memref<512xi32, #tpu.memory_space<vmem>>, vector<16xi32>,
    %get3A_918 = arith.constant 432 : index
    %get3A_919 = tpu.vector_load %arg9[%get3A_918] {strides = array<i32>} : memref<512xi32, #tpu.memory_space<vmem>>, vector<16xi32>,
    %shift_right_arithmetic3A_920 = arith.constant 14 : i32
    %shift_right_arithmetic3A_921 = vector.broadcast %shift_right_arithmetic3A_920 : i32 to vector<16xi32>
    %shift_right_arithmetic3A_922 = arith.shrsi %get3A_917, %shift_right_arithmetic3A_921 : vector<16xi32>
    %shift_left3A_923 = arith.constant 11 : i32
    %shift_left3A_924 = vector.broadcast %shift_left3A_923 : i32 to vector<16xi32>
    %shift_left3A_925 = arith.shli %shift_right_arithmetic3A_922, %shift_left3A_924 : vector<16xi32>
    %and3A_926 = arith.constant 4095 : i32
    %and3A_927 = vector.broadcast %and3A_926 : i32 to vector<16xi32>
    %and3A_928 = arith.andi %get3A_917, %and3A_927 : vector<16xi32>
    %shift_right_arithmetic3A_929 = arith.constant 1 : i32
    %shift_right_arithmetic3A_930 = vector.broadcast %shift_right_arithmetic3A_929 : i32 to vector<16xi32>
    %shift_right_arithmetic3A_931 = arith.shrsi %and3A_928, %shift_right_arithmetic3A_930 : vector<16xi32>
    %add3A_932 = arith.addi %shift_left3A_925, %shift_right_arithmetic3A_931 : vector<16xi32>
    %swap3A_933 = arith.constant 432 : index
    %swap3A_934 = tpu.vector_load %arg10[%swap3A_933] {strides = array<i32>} : memref<512xi32, #tpu.memory_space<vmem>>, vector<16xi32>,
    tpu.vector_store %arg10[%swap3A_933], %add3A_932 {strides = array<i32>} : memref<512xi32, #tpu.memory_space<vmem>>, vector<16xi32>,
    %shift_right_arithmetic3A_935 = arith.constant 14 : i32
    %shift_right_arithmetic3A_936 = vector.broadcast %shift_right_arithmetic3A_935 : i32 to vector<16xi32>
    %shift_right_arithmetic3A_937 = arith.shrsi %get3A_919, %shift_right_arithmetic3A_936 : vector<16xi32>
    %shift_left3A_938 = arith.constant 11 : i32
    %shift_left3A_939 = vector.broadcast %shift_left3A_938 : i32 to vector<16xi32>
    %shift_left3A_940 = arith.shli %shift_right_arithmetic3A_937, %shift_left3A_939 : vector<16xi32>
    %and3A_941 = arith.constant 4095 : i32
    %and3A_942 = vector.broadcast %and3A_941 : i32 to vector<16xi32>
    %and3A_943 = arith.andi %get3A_919, %and3A_942 : vector<16xi32>
    %shift_right_arithmetic3A_944 = arith.constant 1 : i32
    %shift_right_arithmetic3A_945 = vector.broadcast %shift_right_arithmetic3A_944 : i32 to vector<16xi32>
    %shift_right_arithmetic3A_946 = arith.shrsi %and3A_943, %shift_right_arithmetic3A_945 : vector<16xi32>
    %add3A_947 = arith.addi %shift_left3A_940, %shift_right_arithmetic3A_946 : vector<16xi32>
    %swap3A_948 = arith.constant 432 : index
    %swap3A_949 = tpu.vector_load %arg11[%swap3A_948] {strides = array<i32>} : memref<512xi32, #tpu.memory_space<vmem>>, vector<16xi32>,
    tpu.vector_store %arg11[%swap3A_948], %add3A_947 {strides = array<i32>} : memref<512xi32, #tpu.memory_space<vmem>>, vector<16xi32>,
    %get3A_950 = arith.constant 448 : index
    %get3A_951 = tpu.vector_load %arg8[%get3A_950] {strides = array<i32>} : memref<512xi32, #tpu.memory_space<vmem>>, vector<16xi32>,
    %get3A_952 = arith.constant 448 : index
    %get3A_953 = tpu.vector_load %arg9[%get3A_952] {strides = array<i32>} : memref<512xi32, #tpu.memory_space<vmem>>, vector<16xi32>,
    %shift_right_arithmetic3A_954 = arith.constant 14 : i32
    %shift_right_arithmetic3A_955 = vector.broadcast %shift_right_arithmetic3A_954 : i32 to vector<16xi32>
    %shift_right_arithmetic3A_956 = arith.shrsi %get3A_951, %shift_right_arithmetic3A_955 : vector<16xi32>
    %shift_left3A_957 = arith.constant 11 : i32
    %shift_left3A_958 = vector.broadcast %shift_left3A_957 : i32 to vector<16xi32>
    %shift_left3A_959 = arith.shli %shift_right_arithmetic3A_956, %shift_left3A_958 : vector<16xi32>
    %and3A_960 = arith.constant 4095 : i32
    %and3A_961 = vector.broadcast %and3A_960 : i32 to vector<16xi32>
    %and3A_962 = arith.andi %get3A_951, %and3A_961 : vector<16xi32>
    %shift_right_arithmetic3A_963 = arith.constant 1 : i32
    %shift_right_arithmetic3A_964 = vector.broadcast %shift_right_arithmetic3A_963 : i32 to vector<16xi32>
    %shift_right_arithmetic3A_965 = arith.shrsi %and3A_962, %shift_right_arithmetic3A_964 : vector<16xi32>
    %add3A_966 = arith.addi %shift_left3A_959, %shift_right_arithmetic3A_965 : vector<16xi32>
    %swap3A_967 = arith.constant 448 : index
    %swap3A_968 = tpu.vector_load %arg10[%swap3A_967] {strides = array<i32>} : memref<512xi32, #tpu.memory_space<vmem>>, vector<16xi32>,
    tpu.vector_store %arg10[%swap3A_967], %add3A_966 {strides = array<i32>} : memref<512xi32, #tpu.memory_space<vmem>>, vector<16xi32>,
    %shift_right_arithmetic3A_969 = arith.constant 14 : i32
    %shift_right_arithmetic3A_970 = vector.broadcast %shift_right_arithmetic3A_969 : i32 to vector<16xi32>
    %shift_right_arithmetic3A_971 = arith.shrsi %get3A_953, %shift_right_arithmetic3A_970 : vector<16xi32>
    %shift_left3A_972 = arith.constant 11 : i32
    %shift_left3A_973 = vector.broadcast %shift_left3A_972 : i32 to vector<16xi32>
    %shift_left3A_974 = arith.shli %shift_right_arithmetic3A_971, %shift_left3A_973 : vector<16xi32>
    %and3A_975 = arith.constant 4095 : i32
    %and3A_976 = vector.broadcast %and3A_975 : i32 to vector<16xi32>
    %and3A_977 = arith.andi %get3A_953, %and3A_976 : vector<16xi32>
    %shift_right_arithmetic3A_978 = arith.constant 1 : i32
    %shift_right_arithmetic3A_979 = vector.broadcast %shift_right_arithmetic3A_978 : i32 to vector<16xi32>
    %shift_right_arithmetic3A_980 = arith.shrsi %and3A_977, %shift_right_arithmetic3A_979 : vector<16xi32>
    %add3A_981 = arith.addi %shift_left3A_974, %shift_right_arithmetic3A_980 : vector<16xi32>
    %swap3A_982 = arith.constant 448 : index
    %swap3A_983 = tpu.vector_load %arg11[%swap3A_982] {strides = array<i32>} : memref<512xi32, #tpu.memory_space<vmem>>, vector<16xi32>,
    tpu.vector_store %arg11[%swap3A_982], %add3A_981 {strides = array<i32>} : memref<512xi32, #tpu.memory_space<vmem>>, vector<16xi32>,
    %get3A_984 = arith.constant 464 : index
    %get3A_985 = tpu.vector_load %arg8[%get3A_984] {strides = array<i32>} : memref<512xi32, #tpu.memory_space<vmem>>, vector<16xi32>,
    %get3A_986 = arith.constant 464 : index
    %get3A_987 = tpu.vector_load %arg9[%get3A_986] {strides = array<i32>} : memref<512xi32, #tpu.memory_space<vmem>>, vector<16xi32>,
    %shift_right_arithmetic3A_988 = arith.constant 14 : i32
    %shift_right_arithmetic3A_989 = vector.broadcast %shift_right_arithmetic3A_988 : i32 to vector<16xi32>
    %shift_right_arithmetic3A_990 = arith.shrsi %get3A_985, %shift_right_arithmetic3A_989 : vector<16xi32>
    %shift_left3A_991 = arith.constant 11 : i32
    %shift_left3A_992 = vector.broadcast %shift_left3A_991 : i32 to vector<16xi32>
    %shift_left3A_993 = arith.shli %shift_right_arithmetic3A_990, %shift_left3A_992 : vector<16xi32>
    %and3A_994 = arith.constant 4095 : i32
    %and3A_995 = vector.broadcast %and3A_994 : i32 to vector<16xi32>
    %and3A_996 = arith.andi %get3A_985, %and3A_995 : vector<16xi32>
    %shift_right_arithmetic3A_997 = arith.constant 1 : i32
    %shift_right_arithmetic3A_998 = vector.broadcast %shift_right_arithmetic3A_997 : i32 to vector<16xi32>
    %shift_right_arithmetic3A_999 = arith.shrsi %and3A_996, %shift_right_arithmetic3A_998 : vector<16xi32>
    %add3A_1000 = arith.addi %shift_left3A_993, %shift_right_arithmetic3A_999 : vector<16xi32>
    %swap3A_1001 = arith.constant 464 : index
    %swap3A_1002 = tpu.vector_load %arg10[%swap3A_1001] {strides = array<i32>} : memref<512xi32, #tpu.memory_space<vmem>>, vector<16xi32>,
    tpu.vector_store %arg10[%swap3A_1001], %add3A_1000 {strides = array<i32>} : memref<512xi32, #tpu.memory_space<vmem>>, vector<16xi32>,
    %shift_right_arithmetic3A_1003 = arith.constant 14 : i32
    %shift_right_arithmetic3A_1004 = vector.broadcast %shift_right_arithmetic3A_1003 : i32 to vector<16xi32>
    %shift_right_arithmetic3A_1005 = arith.shrsi %get3A_987, %shift_right_arithmetic3A_1004 : vector<16xi32>
    %shift_left3A_1006 = arith.constant 11 : i32
    %shift_left3A_1007 = vector.broadcast %shift_left3A_1006 : i32 to vector<16xi32>
    %shift_left3A_1008 = arith.shli %shift_right_arithmetic3A_1005, %shift_left3A_1007 : vector<16xi32>
    %and3A_1009 = arith.constant 4095 : i32
    %and3A_1010 = vector.broadcast %and3A_1009 : i32 to vector<16xi32>
    %and3A_1011 = arith.andi %get3A_987, %and3A_1010 : vector<16xi32>
    %shift_right_arithmetic3A_1012 = arith.constant 1 : i32
    %shift_right_arithmetic3A_1013 = vector.broadcast %shift_right_arithmetic3A_1012 : i32 to vector<16xi32>
    %shift_right_arithmetic3A_1014 = arith.shrsi %and3A_1011, %shift_right_arithmetic3A_1013 : vector<16xi32>
    %add3A_1015 = arith.addi %shift_left3A_1008, %shift_right_arithmetic3A_1014 : vector<16xi32>
    %swap3A_1016 = arith.constant 464 : index
    %swap3A_1017 = tpu.vector_load %arg11[%swap3A_1016] {strides = array<i32>} : memref<512xi32, #tpu.memory_space<vmem>>, vector<16xi32>,
    tpu.vector_store %arg11[%swap3A_1016], %add3A_1015 {strides = array<i32>} : memref<512xi32, #tpu.memory_space<vmem>>, vector<16xi32>,
    %get3A_1018 = arith.constant 480 : index
    %get3A_1019 = tpu.vector_load %arg8[%get3A_1018] {strides = array<i32>} : memref<512xi32, #tpu.memory_space<vmem>>, vector<16xi32>,
    %get3A_1020 = arith.constant 480 : index
    %get3A_1021 = tpu.vector_load %arg9[%get3A_1020] {strides = array<i32>} : memref<512xi32, #tpu.memory_space<vmem>>, vector<16xi32>,
    %shift_right_arithmetic3A_1022 = arith.constant 14 : i32
    %shift_right_arithmetic3A_1023 = vector.broadcast %shift_right_arithmetic3A_1022 : i32 to vector<16xi32>
    %shift_right_arithmetic3A_1024 = arith.shrsi %get3A_1019, %shift_right_arithmetic3A_1023 : vector<16xi32>
    %shift_left3A_1025 = arith.constant 11 : i32
    %shift_left3A_1026 = vector.broadcast %shift_left3A_1025 : i32 to vector<16xi32>
    %shift_left3A_1027 = arith.shli %shift_right_arithmetic3A_1024, %shift_left3A_1026 : vector<16xi32>
    %and3A_1028 = arith.constant 4095 : i32
    %and3A_1029 = vector.broadcast %and3A_1028 : i32 to vector<16xi32>
    %and3A_1030 = arith.andi %get3A_1019, %and3A_1029 : vector<16xi32>
    %shift_right_arithmetic3A_1031 = arith.constant 1 : i32
    %shift_right_arithmetic3A_1032 = vector.broadcast %shift_right_arithmetic3A_1031 : i32 to vector<16xi32>
    %shift_right_arithmetic3A_1033 = arith.shrsi %and3A_1030, %shift_right_arithmetic3A_1032 : vector<16xi32>
    %add3A_1034 = arith.addi %shift_left3A_1027, %shift_right_arithmetic3A_1033 : vector<16xi32>
    %swap3A_1035 = arith.constant 480 : index
    %swap3A_1036 = tpu.vector_load %arg10[%swap3A_1035] {strides = array<i32>} : memref<512xi32, #tpu.memory_space<vmem>>, vector<16xi32>,
    tpu.vector_store %arg10[%swap3A_1035], %add3A_1034 {strides = array<i32>} : memref<512xi32, #tpu.memory_space<vmem>>, vector<16xi32>,
    %shift_right_arithmetic3A_1037 = arith.constant 14 : i32
    %shift_right_arithmetic3A_1038 = vector.broadcast %shift_right_arithmetic3A_1037 : i32 to vector<16xi32>
    %shift_right_arithmetic3A_1039 = arith.shrsi %get3A_1021, %shift_right_arithmetic3A_1038 : vector<16xi32>
    %shift_left3A_1040 = arith.constant 11 : i32
    %shift_left3A_1041 = vector.broadcast %shift_left3A_1040 : i32 to vector<16xi32>
    %shift_left3A_1042 = arith.shli %shift_right_arithmetic3A_1039, %shift_left3A_1041 : vector<16xi32>
    %and3A_1043 = arith.constant 4095 : i32
    %and3A_1044 = vector.broadcast %and3A_1043 : i32 to vector<16xi32>
    %and3A_1045 = arith.andi %get3A_1021, %and3A_1044 : vector<16xi32>
    %shift_right_arithmetic3A_1046 = arith.constant 1 : i32
    %shift_right_arithmetic3A_1047 = vector.broadcast %shift_right_arithmetic3A_1046 : i32 to vector<16xi32>
    %shift_right_arithmetic3A_1048 = arith.shrsi %and3A_1045, %shift_right_arithmetic3A_1047 : vector<16xi32>
    %add3A_1049 = arith.addi %shift_left3A_1042, %shift_right_arithmetic3A_1048 : vector<16xi32>
    %swap3A_1050 = arith.constant 480 : index
    %swap3A_1051 = tpu.vector_load %arg11[%swap3A_1050] {strides = array<i32>} : memref<512xi32, #tpu.memory_space<vmem>>, vector<16xi32>,
    tpu.vector_store %arg11[%swap3A_1050], %add3A_1049 {strides = array<i32>} : memref<512xi32, #tpu.memory_space<vmem>>, vector<16xi32>,
    %get3A_1052 = arith.constant 496 : index
    %get3A_1053 = tpu.vector_load %arg8[%get3A_1052] {strides = array<i32>} : memref<512xi32, #tpu.memory_space<vmem>>, vector<16xi32>,
    %get3A_1054 = arith.constant 496 : index
    %get3A_1055 = tpu.vector_load %arg9[%get3A_1054] {strides = array<i32>} : memref<512xi32, #tpu.memory_space<vmem>>, vector<16xi32>,
    %shift_right_arithmetic3A_1056 = arith.constant 14 : i32
    %shift_right_arithmetic3A_1057 = vector.broadcast %shift_right_arithmetic3A_1056 : i32 to vector<16xi32>
    %shift_right_arithmetic3A_1058 = arith.shrsi %get3A_1053, %shift_right_arithmetic3A_1057 : vector<16xi32>
    %shift_left3A_1059 = arith.constant 11 : i32
    %shift_left3A_1060 = vector.broadcast %shift_left3A_1059 : i32 to vector<16xi32>
    %shift_left3A_1061 = arith.shli %shift_right_arithmetic3A_1058, %shift_left3A_1060 : vector<16xi32>
    %and3A_1062 = arith.constant 4095 : i32
    %and3A_1063 = vector.broadcast %and3A_1062 : i32 to vector<16xi32>
    %and3A_1064 = arith.andi %get3A_1053, %and3A_1063 : vector<16xi32>
    %shift_right_arithmetic3A_1065 = arith.constant 1 : i32
    %shift_right_arithmetic3A_1066 = vector.broadcast %shift_right_arithmetic3A_1065 : i32 to vector<16xi32>
    %shift_right_arithmetic3A_1067 = arith.shrsi %and3A_1064, %shift_right_arithmetic3A_1066 : vector<16xi32>
    %add3A_1068 = arith.addi %shift_left3A_1061, %shift_right_arithmetic3A_1067 : vector<16xi32>
    %swap3A_1069 = arith.constant 496 : index
    %swap3A_1070 = tpu.vector_load %arg10[%swap3A_1069] {strides = array<i32>} : memref<512xi32, #tpu.memory_space<vmem>>, vector<16xi32>,
    tpu.vector_store %arg10[%swap3A_1069], %add3A_1068 {strides = array<i32>} : memref<512xi32, #tpu.memory_space<vmem>>, vector<16xi32>,
    %shift_right_arithmetic3A_1071 = arith.constant 14 : i32
    %shift_right_arithmetic3A_1072 = vector.broadcast %shift_right_arithmetic3A_1071 : i32 to vector<16xi32>
    %shift_right_arithmetic3A_1073 = arith.shrsi %get3A_1055, %shift_right_arithmetic3A_1072 : vector<16xi32>
    %shift_left3A_1074 = arith.constant 11 : i32
    %shift_left3A_1075 = vector.broadcast %shift_left3A_1074 : i32 to vector<16xi32>
    %shift_left3A_1076 = arith.shli %shift_right_arithmetic3A_1073, %shift_left3A_1075 : vector<16xi32>
    %and3A_1077 = arith.constant 4095 : i32
    %and3A_1078 = vector.broadcast %and3A_1077 : i32 to vector<16xi32>
    %and3A_1079 = arith.andi %get3A_1055, %and3A_1078 : vector<16xi32>
    %shift_right_arithmetic3A_1080 = arith.constant 1 : i32
    %shift_right_arithmetic3A_1081 = vector.broadcast %shift_right_arithmetic3A_1080 : i32 to vector<16xi32>
    %shift_right_arithmetic3A_1082 = arith.shrsi %and3A_1079, %shift_right_arithmetic3A_1081 : vector<16xi32>
    %add3A_1083 = arith.addi %shift_left3A_1076, %shift_right_arithmetic3A_1082 : vector<16xi32>
    %swap3A_1084 = arith.constant 496 : index
    %swap3A_1085 = tpu.vector_load %arg11[%swap3A_1084] {strides = array<i32>} : memref<512xi32, #tpu.memory_space<vmem>>, vector<16xi32>,
    tpu.vector_store %arg11[%swap3A_1084], %add3A_1083 {strides = array<i32>} : memref<512xi32, #tpu.memory_space<vmem>>, vector<16xi32>,
    %dma_start3A = arith.constant 0 : i32
    %dma_start3A_1086 = tpu.memref_slice %arg10[%dma_start3A] : memref<512xi32, #tpu.memory_space<vmem>> -> memref<256xi32, #tpu.memory_space<vmem>>
    %dma_start3A_1087 = arith.constant 0 : i32
    %dma_start3A_1088 = arith.constant 0 : i32
    %dma_start3A_1089 = tpu.memref_slice %arg4[%dma_start3A_1087, %dma_start3A_1088] : memref<126976x128xf32, #tpu.memory_space<hbm>> -> memref<126976x128xf32, #tpu.memory_space<hbm>>
    tpu.enqueue_indirect_dma source(%dma_start3A_1089 : memref<126976x128xf32, #tpu.memory_space<hbm>>) target(%arg12 : memref<256x128xf32, #tpu.memory_space<vmem>>) offsets(%dma_start3A_1086 : memref<256xi32, #tpu.memory_space<vmem>>) semaphore(%arg14 : memref<!tpu.dma_semaphore, #tpu.memory_space<semaphore_mem>>)
    %dma_start3A_1090 = arith.constant 0 : i32
    %dma_start3A_1091 = tpu.memref_slice %arg11[%dma_start3A_1090] : memref<512xi32, #tpu.memory_space<vmem>> -> memref<256xi32, #tpu.memory_space<vmem>>
    %dma_start3A_1092 = arith.constant 0 : i32
    %dma_start3A_1093 = arith.constant 0 : i32
    %dma_start3A_1094 = tpu.memref_slice %arg5[%dma_start3A_1092, %dma_start3A_1093] : memref<14336x128xf32, #tpu.memory_space<hbm>> -> memref<14336x128xf32, #tpu.memory_space<hbm>>
    tpu.enqueue_indirect_dma source(%dma_start3A_1094 : memref<14336x128xf32, #tpu.memory_space<hbm>>) target(%arg13 : memref<256x128xf32, #tpu.memory_space<vmem>>) offsets(%dma_start3A_1091 : memref<256xi32, #tpu.memory_space<vmem>>) semaphore(%arg15 : memref<!tpu.dma_semaphore, #tpu.memory_space<semaphore_mem>>)
    %add3A_1095 = arith.constant 0 : i32
    %add3A_1096 = arith.addi %mul3A_2, %add3A_1095 : i32
    %dma_wait3A = arith.constant 0 : i32
    %dma_wait3A_1097 = tpu.memref_slice %arg10[%dma_wait3A] : memref<512xi32, #tpu.memory_space<vmem>> -> memref<256xi32, #tpu.memory_space<vmem>>
    %dma_wait3A_1098 = arith.constant 0 : i32
    %dma_wait3A_1099 = arith.constant 0 : i32
    %dma_wait3A_1100 = tpu.memref_slice %arg4[%dma_wait3A_1098, %dma_wait3A_1099] : memref<126976x128xf32, #tpu.memory_space<hbm>> -> memref<126976x128xf32, #tpu.memory_space<hbm>>
    tpu.wait_indirect_dma semaphore(%arg14 : memref<!tpu.dma_semaphore, #tpu.memory_space<semaphore_mem>>) src(%dma_wait3A_1100 : memref<126976x128xf32, #tpu.memory_space<hbm>>) dst(%arg12 : memref<256x128xf32, #tpu.memory_space<vmem>>)
    "tpu.region"() ({
      %run_scoped3A = tpu.sem_alloc : memref<!tpu.dma_semaphore, #tpu.memory_space<semaphore_mem>>
      %dma_start3A_1128 = arith.constant 0 : i32
      %dma_start3A_1129 = tpu.memref_slice %arg6[%add3A_1096, %dma_start3A_1128] : memref<16384x128xf32, #tpu.memory_space<hbm>> -> memref<256x128xf32, #tpu.memory_space<hbm>>
      %dma_start3A_1130 = arith.constant 0 : i32
      %dma_start3A_1131 = tpu.memref_slice %arg6[%add3A_1096, %dma_start3A_1130] : memref<16384x128xf32, #tpu.memory_space<hbm>> -> memref<256x128xf32, #tpu.memory_space<hbm>>
      tpu.enqueue_dma source(%arg12 : memref<256x128xf32, #tpu.memory_space<vmem>>) target(%dma_start3A_1131 : memref<256x128xf32, #tpu.memory_space<hbm>>) target_semaphore(%run_scoped3A : memref<!tpu.dma_semaphore, #tpu.memory_space<semaphore_mem>>)
      %dma_wait3A_1132 = arith.constant 0 : i32
      %dma_wait3A_1133 = tpu.memref_slice %arg6[%add3A_1096, %dma_wait3A_1132] : memref<16384x128xf32, #tpu.memory_space<hbm>> -> memref<256x128xf32, #tpu.memory_space<hbm>>
      %dma_wait3A_1134 = arith.constant 0 : i32
      %dma_wait3A_1135 = tpu.memref_slice %arg6[%add3A_1096, %dma_wait3A_1134] : memref<16384x128xf32, #tpu.memory_space<hbm>> -> memref<256x128xf32, #tpu.memory_space<hbm>>
      tpu.wait_dma2 semaphore(%run_scoped3A : memref<!tpu.dma_semaphore, #tpu.memory_space<semaphore_mem>>) src(%arg12 : memref<256x128xf32, #tpu.memory_space<vmem>>) dst(%dma_wait3A_1135 : memref<256x128xf32, #tpu.memory_space<hbm>>)
      tpu.yield
    }) : () -> ()
    %dma_wait3A_1101 = arith.constant 0 : i32
    %dma_wait3A_1102 = tpu.memref_slice %arg11[%dma_wait3A_1101] : memref<512xi32, #tpu.memory_space<vmem>> -> memref<256xi32, #tpu.memory_space<vmem>>
    %dma_wait3A_1103 = arith.constant 0 : i32
    %dma_wait3A_1104 = arith.constant 0 : i32
    %dma_wait3A_1105 = tpu.memref_slice %arg5[%dma_wait3A_1103, %dma_wait3A_1104] : memref<14336x128xf32, #tpu.memory_space<hbm>> -> memref<14336x128xf32, #tpu.memory_space<hbm>>
    tpu.wait_indirect_dma semaphore(%arg15 : memref<!tpu.dma_semaphore, #tpu.memory_space<semaphore_mem>>) src(%dma_wait3A_1105 : memref<14336x128xf32, #tpu.memory_space<hbm>>) dst(%arg13 : memref<256x128xf32, #tpu.memory_space<vmem>>)
    "tpu.region"() ({
      %run_scoped3A = tpu.sem_alloc : memref<!tpu.dma_semaphore, #tpu.memory_space<semaphore_mem>>
      %dma_start3A_1128 = arith.constant 0 : i32
      %dma_start3A_1129 = tpu.memref_slice %arg7[%add3A_1096, %dma_start3A_1128] : memref<16384x128xf32, #tpu.memory_space<hbm>> -> memref<256x128xf32, #tpu.memory_space<hbm>>
      %dma_start3A_1130 = arith.constant 0 : i32
      %dma_start3A_1131 = tpu.memref_slice %arg7[%add3A_1096, %dma_start3A_1130] : memref<16384x128xf32, #tpu.memory_space<hbm>> -> memref<256x128xf32, #tpu.memory_space<hbm>>
      tpu.enqueue_dma source(%arg13 : memref<256x128xf32, #tpu.memory_space<vmem>>) target(%dma_start3A_1131 : memref<256x128xf32, #tpu.memory_space<hbm>>) target_semaphore(%run_scoped3A : memref<!tpu.dma_semaphore, #tpu.memory_space<semaphore_mem>>)
      %dma_wait3A_1132 = arith.constant 0 : i32
      %dma_wait3A_1133 = tpu.memref_slice %arg7[%add3A_1096, %dma_wait3A_1132] : memref<16384x128xf32, #tpu.memory_space<hbm>> -> memref<256x128xf32, #tpu.memory_space<hbm>>
      %dma_wait3A_1134 = arith.constant 0 : i32
      %dma_wait3A_1135 = tpu.memref_slice %arg7[%add3A_1096, %dma_wait3A_1134] : memref<16384x128xf32, #tpu.memory_space<hbm>> -> memref<256x128xf32, #tpu.memory_space<hbm>>
      tpu.wait_dma2 semaphore(%run_scoped3A : memref<!tpu.dma_semaphore, #tpu.memory_space<semaphore_mem>>) src(%arg13 : memref<256x128xf32, #tpu.memory_space<vmem>>) dst(%dma_wait3A_1135 : memref<256x128xf32, #tpu.memory_space<hbm>>)
      tpu.yield
    }) : () -> ()
    %dma_start3A_1106 = arith.constant 256 : i32
    %dma_start3A_1107 = tpu.memref_slice %arg10[%dma_start3A_1106] : memref<512xi32, #tpu.memory_space<vmem>> -> memref<256xi32, #tpu.memory_space<vmem>>
    %dma_start3A_1108 = arith.constant 0 : i32
    %dma_start3A_1109 = arith.constant 0 : i32
    %dma_start3A_1110 = tpu.memref_slice %arg4[%dma_start3A_1108, %dma_start3A_1109] : memref<126976x128xf32, #tpu.memory_space<hbm>> -> memref<126976x128xf32, #tpu.memory_space<hbm>>
    tpu.enqueue_indirect_dma source(%dma_start3A_1110 : memref<126976x128xf32, #tpu.memory_space<hbm>>) target(%arg12 : memref<256x128xf32, #tpu.memory_space<vmem>>) offsets(%dma_start3A_1107 : memref<256xi32, #tpu.memory_space<vmem>>) semaphore(%arg14 : memref<!tpu.dma_semaphore, #tpu.memory_space<semaphore_mem>>)
    %dma_start3A_1111 = arith.constant 256 : i32
    %dma_start3A_1112 = tpu.memref_slice %arg11[%dma_start3A_1111] : memref<512xi32, #tpu.memory_space<vmem>> -> memref<256xi32, #tpu.memory_space<vmem>>
    %dma_start3A_1113 = arith.constant 0 : i32
    %dma_start3A_1114 = arith.constant 0 : i32
    %dma_start3A_1115 = tpu.memref_slice %arg5[%dma_start3A_1113, %dma_start3A_1114] : memref<14336x128xf32, #tpu.memory_space<hbm>> -> memref<14336x128xf32, #tpu.memory_space<hbm>>
    tpu.enqueue_indirect_dma source(%dma_start3A_1115 : memref<14336x128xf32, #tpu.memory_space<hbm>>) target(%arg13 : memref<256x128xf32, #tpu.memory_space<vmem>>) offsets(%dma_start3A_1112 : memref<256xi32, #tpu.memory_space<vmem>>) semaphore(%arg15 : memref<!tpu.dma_semaphore, #tpu.memory_space<semaphore_mem>>)
    %add3A_1116 = arith.constant 256 : i32
    %add3A_1117 = arith.addi %mul3A_2, %add3A_1116 : i32
    %dma_wait3A_1118 = arith.constant 256 : i32
    %dma_wait3A_1119 = tpu.memref_slice %arg10[%dma_wait3A_1118] : memref<512xi32, #tpu.memory_space<vmem>> -> memref<256xi32, #tpu.memory_space<vmem>>
    %dma_wait3A_1120 = arith.constant 0 : i32
    %dma_wait3A_1121 = arith.constant 0 : i32
    %dma_wait3A_1122 = tpu.memref_slice %arg4[%dma_wait3A_1120, %dma_wait3A_1121] : memref<126976x128xf32, #tpu.memory_space<hbm>> -> memref<126976x128xf32, #tpu.memory_space<hbm>>
    tpu.wait_indirect_dma semaphore(%arg14 : memref<!tpu.dma_semaphore, #tpu.memory_space<semaphore_mem>>) src(%dma_wait3A_1122 : memref<126976x128xf32, #tpu.memory_space<hbm>>) dst(%arg12 : memref<256x128xf32, #tpu.memory_space<vmem>>)
    "tpu.region"() ({
      %run_scoped3A = tpu.sem_alloc : memref<!tpu.dma_semaphore, #tpu.memory_space<semaphore_mem>>
      %dma_start3A_1128 = arith.constant 0 : i32
      %dma_start3A_1129 = tpu.memref_slice %arg6[%add3A_1117, %dma_start3A_1128] : memref<16384x128xf32, #tpu.memory_space<hbm>> -> memref<256x128xf32, #tpu.memory_space<hbm>>
      %dma_start3A_1130 = arith.constant 0 : i32
      %dma_start3A_1131 = tpu.memref_slice %arg6[%add3A_1117, %dma_start3A_1130] : memref<16384x128xf32, #tpu.memory_space<hbm>> -> memref<256x128xf32, #tpu.memory_space<hbm>>
      tpu.enqueue_dma source(%arg12 : memref<256x128xf32, #tpu.memory_space<vmem>>) target(%dma_start3A_1131 : memref<256x128xf32, #tpu.memory_space<hbm>>) target_semaphore(%run_scoped3A : memref<!tpu.dma_semaphore, #tpu.memory_space<semaphore_mem>>)
      %dma_wait3A_1132 = arith.constant 0 : i32
      %dma_wait3A_1133 = tpu.memref_slice %arg6[%add3A_1117, %dma_wait3A_1132] : memref<16384x128xf32, #tpu.memory_space<hbm>> -> memref<256x128xf32, #tpu.memory_space<hbm>>
      %dma_wait3A_1134 = arith.constant 0 : i32
      %dma_wait3A_1135 = tpu.memref_slice %arg6[%add3A_1117, %dma_wait3A_1134] : memref<16384x128xf32, #tpu.memory_space<hbm>> -> memref<256x128xf32, #tpu.memory_space<hbm>>
      tpu.wait_dma2 semaphore(%run_scoped3A : memref<!tpu.dma_semaphore, #tpu.memory_space<semaphore_mem>>) src(%arg12 : memref<256x128xf32, #tpu.memory_space<vmem>>) dst(%dma_wait3A_1135 : memref<256x128xf32, #tpu.memory_space<hbm>>)
      tpu.yield
    }) : () -> ()
    %dma_wait3A_1123 = arith.constant 256 : i32
    %dma_wait3A_1124 = tpu.memref_slice %arg11[%dma_wait3A_1123] : memref<512xi32, #tpu.memory_space<vmem>> -> memref<256xi32, #tpu.memory_space<vmem>>
    %dma_wait3A_1125 = arith.constant 0 : i32
    %dma_wait3A_1126 = arith.constant 0 : i32
    %dma_wait3A_1127 = tpu.memref_slice %arg5[%dma_wait3A_1125, %dma_wait3A_1126] : memref<14336x128xf32, #tpu.memory_space<hbm>> -> memref<14336x128xf32, #tpu.memory_space<hbm>>
    tpu.wait_indirect_dma semaphore(%arg15 : memref<!tpu.dma_semaphore, #tpu.memory_space<semaphore_mem>>) src(%dma_wait3A_1127 : memref<14336x128xf32, #tpu.memory_space<hbm>>) dst(%arg13 : memref<256x128xf32, #tpu.memory_space<vmem>>)
    "tpu.region"() ({
      %run_scoped3A = tpu.sem_alloc : memref<!tpu.dma_semaphore, #tpu.memory_space<semaphore_mem>>
      %dma_start3A_1128 = arith.constant 0 : i32
      %dma_start3A_1129 = tpu.memref_slice %arg7[%add3A_1117, %dma_start3A_1128] : memref<16384x128xf32, #tpu.memory_space<hbm>> -> memref<256x128xf32, #tpu.memory_space<hbm>>
      %dma_start3A_1130 = arith.constant 0 : i32
      %dma_start3A_1131 = tpu.memref_slice %arg7[%add3A_1117, %dma_start3A_1130] : memref<16384x128xf32, #tpu.memory_space<hbm>> -> memref<256x128xf32, #tpu.memory_space<hbm>>
      tpu.enqueue_dma source(%arg13 : memref<256x128xf32, #tpu.memory_space<vmem>>) target(%dma_start3A_1131 : memref<256x128xf32, #tpu.memory_space<hbm>>) target_semaphore(%run_scoped3A : memref<!tpu.dma_semaphore, #tpu.memory_space<semaphore_mem>>)
      %dma_wait3A_1132 = arith.constant 0 : i32
      %dma_wait3A_1133 = tpu.memref_slice %arg7[%add3A_1117, %dma_wait3A_1132] : memref<16384x128xf32, #tpu.memory_space<hbm>> -> memref<256x128xf32, #tpu.memory_space<hbm>>
      %dma_wait3A_1134 = arith.constant 0 : i32
      %dma_wait3A_1135 = tpu.memref_slice %arg7[%add3A_1117, %dma_wait3A_1134] : memref<16384x128xf32, #tpu.memory_space<hbm>> -> memref<256x128xf32, #tpu.memory_space<hbm>>
      tpu.wait_dma2 semaphore(%run_scoped3A : memref<!tpu.dma_semaphore, #tpu.memory_space<semaphore_mem>>) src(%arg13 : memref<256x128xf32, #tpu.memory_space<vmem>>) dst(%dma_wait3A_1135 : memref<256x128xf32, #tpu.memory_space<hbm>>)
      tpu.yield
    }) : () -> ()
    return
  }
}

module attributes {stable_mosaic.version = 14 : i64} {
  func.func @_pack_body(%arg0: i32, %arg1: memref<32x16384xf32, #tpu.memory_space<vmem>>, %arg2: memref<5x16384xf32, #tpu.memory_space<vmem>>, %arg3: memref<32x32xf32, #tpu.memory_space<vmem>>, %arg4: memref<5x32xf32, #tpu.memory_space<vmem>>, %arg5: memref<2048x128xf32, #tpu.memory_space<vmem>>) attributes {dimension_semantics = [#tpu.dimension_semantics<arbitrary>], iteration_bounds = array<i64: 7>, scalar_prefetch = 0 : i64, scratch_operands = 0 : i64, tpu.core_type = #tpu.core_type<tc>, window_params = [{transform_indices = @transform_0, window_bounds = array<i64: 32, 16384>}, {transform_indices = @transform_1, window_bounds = array<i64: 5, 16384>}, {pipeline_mode = #tpu.pipeline_mode<synchronous>, transform_indices = @transform_2, window_bounds = array<i64: 32, 32>}, {pipeline_mode = #tpu.pipeline_mode<synchronous>, transform_indices = @transform_3, window_bounds = array<i64: 5, 32>}, {transform_indices = @transform_4, window_bounds = array<i64: 2048, 128>}]} {
    %get3A = arith.constant 0 : index
    %get3A_0 = arith.constant 0 : index
    %get3A_1 = vector.load %arg1[%get3A, %get3A_0] : memref<32x16384xf32, #tpu.memory_space<vmem>>, vector<32x16384xf32>
    %convert_element_type3A = arith.truncf %get3A_1 : vector<32x16384xf32> to vector<32x16384xbf16>
    %get3A_2 = arith.constant 0 : index
    %get3A_3 = arith.constant 0 : index
    %get3A_4 = vector.load %arg2[%get3A_2, %get3A_3] : memref<5x16384xf32, #tpu.memory_space<vmem>>, vector<5x16384xf32>
    %convert_element_type3A_5 = arith.truncf %get3A_4 : vector<5x16384xf32> to vector<5x16384xbf16>
    %get3A_6 = arith.constant 0 : index
    %get3A_7 = arith.constant 0 : index
    %get3A_8 = vector.load %arg3[%get3A_6, %get3A_7] : memref<32x32xf32, #tpu.memory_space<vmem>>, vector<32x32xf32>
    %convert_element_type3A_9 = arith.truncf %get3A_8 : vector<32x32xf32> to vector<32x32xbf16>
    %get3A_10 = arith.constant 0 : index
    %get3A_11 = arith.constant 0 : index
    %get3A_12 = vector.load %arg4[%get3A_10, %get3A_11] : memref<5x32xf32, #tpu.memory_space<vmem>>, vector<5x32xf32>
    %convert_element_type3A_13 = arith.truncf %get3A_12 : vector<5x32xf32> to vector<5x32xbf16>
    %slice3A = vector.extract_strided_slice %convert_element_type3A {offsets = [0, 0], sizes = [32, 4096], strides = [1, 1]} : vector<32x16384xbf16> to vector<32x4096xbf16>
    %dot_general3A = arith.constant dense<0.000000e+00> : vector<4096x32xf32>
    %dot_general3A_14 = tpu.matmul %slice3A, %convert_element_type3A_9, %dot_general3A {dimension_numbers = #tpu.dot_dimension_numbers<[0], [0], [1], [1], [0, 1, 1, 1], [], []>, transpose_lhs_hint = false} : vector<32x4096xbf16>, vector<32x32xbf16>, vector<4096x32xf32> -> vector<4096x32xf32>
    %slice3A_15 = vector.extract_strided_slice %convert_element_type3A_5 {offsets = [0, 0], sizes = [5, 4096], strides = [1, 1]} : vector<5x16384xbf16> to vector<5x4096xbf16>
    %dot_general3A_16 = arith.constant dense<0.000000e+00> : vector<4096x32xf32>
    %dot_general3A_17 = tpu.matmul %slice3A_15, %convert_element_type3A_13, %dot_general3A_16 {dimension_numbers = #tpu.dot_dimension_numbers<[0], [0], [1], [1], [0, 1, 1, 1], [], []>, transpose_lhs_hint = false} : vector<5x4096xbf16>, vector<5x32xbf16>, vector<4096x32xf32> -> vector<4096x32xf32>
    %add3A = arith.addf %dot_general3A_14, %dot_general3A_17 : vector<4096x32xf32>
    %convert_element_type3A_18 = arith.truncf %add3A : vector<4096x32xf32> to vector<4096x32xbf16>
    %bitcast3A = tpu.bitcast %convert_element_type3A_18 : vector<4096x32xbf16> -> vector<2048x32xf32>
    %slice3A_19 = vector.extract_strided_slice %convert_element_type3A {offsets = [0, 4096], sizes = [32, 4096], strides = [1, 1]} : vector<32x16384xbf16> to vector<32x4096xbf16>
    %dot_general3A_20 = arith.constant dense<0.000000e+00> : vector<4096x32xf32>
    %dot_general3A_21 = tpu.matmul %slice3A_19, %convert_element_type3A_9, %dot_general3A_20 {dimension_numbers = #tpu.dot_dimension_numbers<[0], [0], [1], [1], [0, 1, 1, 1], [], []>, transpose_lhs_hint = false} : vector<32x4096xbf16>, vector<32x32xbf16>, vector<4096x32xf32> -> vector<4096x32xf32>
    %slice3A_22 = vector.extract_strided_slice %convert_element_type3A_5 {offsets = [0, 4096], sizes = [5, 4096], strides = [1, 1]} : vector<5x16384xbf16> to vector<5x4096xbf16>
    %dot_general3A_23 = arith.constant dense<0.000000e+00> : vector<4096x32xf32>
    %dot_general3A_24 = tpu.matmul %slice3A_22, %convert_element_type3A_13, %dot_general3A_23 {dimension_numbers = #tpu.dot_dimension_numbers<[0], [0], [1], [1], [0, 1, 1, 1], [], []>, transpose_lhs_hint = false} : vector<5x4096xbf16>, vector<5x32xbf16>, vector<4096x32xf32> -> vector<4096x32xf32>
    %add3A_25 = arith.addf %dot_general3A_21, %dot_general3A_24 : vector<4096x32xf32>
    %convert_element_type3A_26 = arith.truncf %add3A_25 : vector<4096x32xf32> to vector<4096x32xbf16>
    %bitcast3A_27 = tpu.bitcast %convert_element_type3A_26 : vector<4096x32xbf16> -> vector<2048x32xf32>
    %slice3A_28 = vector.extract_strided_slice %convert_element_type3A {offsets = [0, 8192], sizes = [32, 4096], strides = [1, 1]} : vector<32x16384xbf16> to vector<32x4096xbf16>
    %dot_general3A_29 = arith.constant dense<0.000000e+00> : vector<4096x32xf32>
    %dot_general3A_30 = tpu.matmul %slice3A_28, %convert_element_type3A_9, %dot_general3A_29 {dimension_numbers = #tpu.dot_dimension_numbers<[0], [0], [1], [1], [0, 1, 1, 1], [], []>, transpose_lhs_hint = false} : vector<32x4096xbf16>, vector<32x32xbf16>, vector<4096x32xf32> -> vector<4096x32xf32>
    %slice3A_31 = vector.extract_strided_slice %convert_element_type3A_5 {offsets = [0, 8192], sizes = [5, 4096], strides = [1, 1]} : vector<5x16384xbf16> to vector<5x4096xbf16>
    %dot_general3A_32 = arith.constant dense<0.000000e+00> : vector<4096x32xf32>
    %dot_general3A_33 = tpu.matmul %slice3A_31, %convert_element_type3A_13, %dot_general3A_32 {dimension_numbers = #tpu.dot_dimension_numbers<[0], [0], [1], [1], [0, 1, 1, 1], [], []>, transpose_lhs_hint = false} : vector<5x4096xbf16>, vector<5x32xbf16>, vector<4096x32xf32> -> vector<4096x32xf32>
    %add3A_34 = arith.addf %dot_general3A_30, %dot_general3A_33 : vector<4096x32xf32>
    %convert_element_type3A_35 = arith.truncf %add3A_34 : vector<4096x32xf32> to vector<4096x32xbf16>
    %bitcast3A_36 = tpu.bitcast %convert_element_type3A_35 : vector<4096x32xbf16> -> vector<2048x32xf32>
    %slice3A_37 = vector.extract_strided_slice %convert_element_type3A {offsets = [0, 12288], sizes = [32, 4096], strides = [1, 1]} : vector<32x16384xbf16> to vector<32x4096xbf16>
    %dot_general3A_38 = arith.constant dense<0.000000e+00> : vector<4096x32xf32>
    %dot_general3A_39 = tpu.matmul %slice3A_37, %convert_element_type3A_9, %dot_general3A_38 {dimension_numbers = #tpu.dot_dimension_numbers<[0], [0], [1], [1], [0, 1, 1, 1], [], []>, transpose_lhs_hint = false} : vector<32x4096xbf16>, vector<32x32xbf16>, vector<4096x32xf32> -> vector<4096x32xf32>
    %slice3A_40 = vector.extract_strided_slice %convert_element_type3A_5 {offsets = [0, 12288], sizes = [5, 4096], strides = [1, 1]} : vector<5x16384xbf16> to vector<5x4096xbf16>
    %dot_general3A_41 = arith.constant dense<0.000000e+00> : vector<4096x32xf32>
    %dot_general3A_42 = tpu.matmul %slice3A_40, %convert_element_type3A_13, %dot_general3A_41 {dimension_numbers = #tpu.dot_dimension_numbers<[0], [0], [1], [1], [0, 1, 1, 1], [], []>, transpose_lhs_hint = false} : vector<5x4096xbf16>, vector<5x32xbf16>, vector<4096x32xf32> -> vector<4096x32xf32>
    %add3A_43 = arith.addf %dot_general3A_39, %dot_general3A_42 : vector<4096x32xf32>
    %convert_element_type3A_44 = arith.truncf %add3A_43 : vector<4096x32xf32> to vector<4096x32xbf16>
    %bitcast3A_45 = tpu.bitcast %convert_element_type3A_44 : vector<4096x32xbf16> -> vector<2048x32xf32>
    %concatenate3A = tpu.concatenate %bitcast3A, %bitcast3A_27, %bitcast3A_36, %bitcast3A_45 in 1 : vector<2048x32xf32>, vector<2048x32xf32>, vector<2048x32xf32>, vector<2048x32xf32> -> vector<2048x128xf32>
    %swap3A = arith.constant 0 : index
    %swap3A_46 = arith.constant 0 : index
    %swap3A_47 = vector.load %arg5[%swap3A, %swap3A_46] : memref<2048x128xf32, #tpu.memory_space<vmem>>, vector<2048x128xf32>
    tpu.vector_store %arg5[%swap3A, %swap3A_46], %concatenate3A {strides = array<i32>} : memref<2048x128xf32, #tpu.memory_space<vmem>>, vector<2048x128xf32>,
    return
  }
  func.func @transform_0(%arg0: i32) -> (i32, i32) {
    %c0_i32 = arith.constant 0 : i32
    %c0_i32_0 = arith.constant 0 : i32
    return %c0_i32, %arg0 : i32, i32
  }
  func.func @transform_1(%arg0: i32) -> (i32, i32) {
    %c0_i32 = arith.constant 0 : i32
    %c0_i32_0 = arith.constant 0 : i32
    return %c0_i32, %arg0 : i32, i32
  }
  func.func @transform_2(%arg0: i32) -> (i32, i32) {
    %c0_i32 = arith.constant 0 : i32
    %c0_i32_0 = arith.constant 0 : i32
    %c0_i32_1 = arith.constant 0 : i32
    return %c0_i32, %c0_i32_0 : i32, i32
  }
  func.func @transform_3(%arg0: i32) -> (i32, i32) {
    %c0_i32 = arith.constant 0 : i32
    %c0_i32_0 = arith.constant 0 : i32
    %c0_i32_1 = arith.constant 0 : i32
    return %c0_i32, %c0_i32_0 : i32, i32
  }
  func.func @transform_4(%arg0: i32) -> (i32, i32) {
    %c0_i32 = arith.constant 0 : i32
    %c0_i32_0 = arith.constant 0 : i32
    return %arg0, %c0_i32 : i32, i32
  }
}

module attributes {stable_mosaic.version = 14 : i64} {
  func.func @_tc_mlp_body(%arg0: i32, %arg1: memref<2048x128xf32, #tpu.memory_space<vmem>>, %arg2: memref<2048x128xf32, #tpu.memory_space<vmem>>, %arg3: memref<1x2048xi32, #tpu.memory_space<vmem>>, %arg4: memref<1x2048xi32, #tpu.memory_space<vmem>>, %arg5: memref<1x15xf32, #tpu.memory_space<vmem>>, %arg6: memref<15x5xf32, #tpu.memory_space<vmem>>, %arg7: memref<1x5xf32, #tpu.memory_space<vmem>>, %arg8: memref<2048x5xf32, #tpu.memory_space<vmem>>) attributes {dimension_semantics = [#tpu.dimension_semantics<arbitrary>], iteration_bounds = array<i64: 8>, scalar_prefetch = 0 : i64, scratch_operands = 0 : i64, tpu.core_type = #tpu.core_type<tc>, window_params = [{transform_indices = @transform_0, window_bounds = array<i64: 2048, 128>}, {transform_indices = @transform_1, window_bounds = array<i64: 2048, 128>}, {transform_indices = @transform_2, window_bounds = array<i64: 1, 2048>}, {transform_indices = @transform_3, window_bounds = array<i64: 1, 2048>}, {pipeline_mode = #tpu.pipeline_mode<synchronous>, transform_indices = @transform_4, window_bounds = array<i64: 1, 15>}, {pipeline_mode = #tpu.pipeline_mode<synchronous>, transform_indices = @transform_5, window_bounds = array<i64: 15, 5>}, {pipeline_mode = #tpu.pipeline_mode<synchronous>, transform_indices = @transform_6, window_bounds = array<i64: 1, 5>}, {transform_indices = @transform_7, window_bounds = array<i64: 2048, 5>}]} {
    %get3A = arith.constant 0 : index
    %get3A_0 = arith.constant 0 : index
    %get3A_1 = vector.load %arg1[%get3A, %get3A_0] : memref<2048x128xf32, #tpu.memory_space<vmem>>, vector<2048x128xf32>
    %bitcast_convert_type3A = tpu.bitcast %get3A_1 : vector<2048x128xf32> -> vector<2048x128xi32>
    %get3A_2 = arith.constant 0 : index
    %get3A_3 = arith.constant 0 : index
    %get3A_4 = vector.load %arg2[%get3A_2, %get3A_3] : memref<2048x128xf32, #tpu.memory_space<vmem>>, vector<2048x128xf32>
    %bitcast_convert_type3A_5 = tpu.bitcast %get3A_4 : vector<2048x128xf32> -> vector<2048x128xi32>
    %iota3A = tpu.iota {dimensions = array<i32: 1>} : vector<2048x128xi32>
    %get3A_6 = arith.constant 0 : index
    %get3A_7 = arith.constant 0 : index
    %get3A_8 = vector.load %arg3[%get3A_6, %get3A_7] : memref<1x2048xi32, #tpu.memory_space<vmem>>, vector<1x2048xi32>
    %get3A_9 = vector.shape_cast %get3A_8 : vector<1x2048xi32> to vector<2048xi32>
    %reshape3A = vector.shape_cast %get3A_9 : vector<2048xi32> to vector<2048x1xi32>
    %get3A_10 = arith.constant 0 : index
    %get3A_11 = arith.constant 0 : index
    %get3A_12 = vector.load %arg4[%get3A_10, %get3A_11] : memref<1x2048xi32, #tpu.memory_space<vmem>>, vector<1x2048xi32>
    %get3A_13 = vector.shape_cast %get3A_12 : vector<1x2048xi32> to vector<2048xi32>
    %reshape3A_14 = vector.shape_cast %get3A_13 : vector<2048xi32> to vector<2048x1xi32>
    %and3A = arith.constant 1 : i32
    %and3A_15 = vector.broadcast %and3A : i32 to vector<2048x1xi32>
    %and3A_16 = arith.andi %reshape3A, %and3A_15 : vector<2048x1xi32>
    %eq3A = arith.constant 1 : i32
    %eq3A_17 = vector.broadcast %eq3A : i32 to vector<2048x1xi32>
    %eq3A_18 = arith.cmpi eq, %and3A_16, %eq3A_17 : vector<2048x1xi32>
    %and3A_19 = arith.constant -65536 : i32
    %and3A_20 = vector.broadcast %and3A_19 : i32 to vector<2048x128xi32>
    %and3A_21 = arith.andi %bitcast_convert_type3A, %and3A_20 : vector<2048x128xi32>
    %shift_left3A = arith.constant 16 : i32
    %shift_left3A_22 = vector.broadcast %shift_left3A : i32 to vector<2048x128xi32>
    %shift_left3A_23 = arith.shli %bitcast_convert_type3A, %shift_left3A_22 : vector<2048x128xi32>
    %broadcast_in_dim3A = vector.shape_cast %eq3A_18 : vector<2048x1xi1> to vector<2048x1xi1>
    %broadcast_in_dim3A_24 = vector.broadcast %broadcast_in_dim3A : vector<2048x1xi1> to vector<2048x128xi1>
    %select_n3A = arith.select %broadcast_in_dim3A_24, %and3A_21, %shift_left3A_23 : vector<2048x128xi1>, vector<2048x128xi32>
    %and3A_25 = arith.constant 1 : i32
    %and3A_26 = vector.broadcast %and3A_25 : i32 to vector<2048x1xi32>
    %and3A_27 = arith.andi %reshape3A_14, %and3A_26 : vector<2048x1xi32>
    %eq3A_28 = arith.constant 1 : i32
    %eq3A_29 = vector.broadcast %eq3A_28 : i32 to vector<2048x1xi32>
    %eq3A_30 = arith.cmpi eq, %and3A_27, %eq3A_29 : vector<2048x1xi32>
    %and3A_31 = arith.constant -65536 : i32
    %and3A_32 = vector.broadcast %and3A_31 : i32 to vector<2048x128xi32>
    %and3A_33 = arith.andi %bitcast_convert_type3A_5, %and3A_32 : vector<2048x128xi32>
    %shift_left3A_34 = arith.constant 16 : i32
    %shift_left3A_35 = vector.broadcast %shift_left3A_34 : i32 to vector<2048x128xi32>
    %shift_left3A_36 = arith.shli %bitcast_convert_type3A_5, %shift_left3A_35 : vector<2048x128xi32>
    %broadcast_in_dim3A_37 = vector.shape_cast %eq3A_30 : vector<2048x1xi1> to vector<2048x1xi1>
    %broadcast_in_dim3A_38 = vector.broadcast %broadcast_in_dim3A_37 : vector<2048x1xi1> to vector<2048x128xi1>
    %select_n3A_39 = arith.select %broadcast_in_dim3A_38, %and3A_33, %shift_left3A_36 : vector<2048x128xi1>, vector<2048x128xi32>
    %bitcast_convert_type3A_40 = tpu.bitcast %select_n3A : vector<2048x128xi32> -> vector<2048x128xf32>
    %bitcast_convert_type3A_41 = tpu.bitcast %select_n3A_39 : vector<2048x128xi32> -> vector<2048x128xf32>
    %shift_right_arithmetic3A = arith.constant 12 : i32
    %shift_right_arithmetic3A_42 = vector.broadcast %shift_right_arithmetic3A : i32 to vector<2048x1xi32>
    %shift_right_arithmetic3A_43 = arith.shrsi %reshape3A, %shift_right_arithmetic3A_42 : vector<2048x1xi32>
    %and3A_44 = arith.constant 3 : i32
    %and3A_45 = vector.broadcast %and3A_44 : i32 to vector<2048x1xi32>
    %and3A_46 = arith.andi %shift_right_arithmetic3A_43, %and3A_45 : vector<2048x1xi32>
    %shift_right_arithmetic3A_47 = arith.constant 12 : i32
    %shift_right_arithmetic3A_48 = vector.broadcast %shift_right_arithmetic3A_47 : i32 to vector<2048x1xi32>
    %shift_right_arithmetic3A_49 = arith.shrsi %reshape3A_14, %shift_right_arithmetic3A_48 : vector<2048x1xi32>
    %and3A_50 = arith.constant 3 : i32
    %and3A_51 = vector.broadcast %and3A_50 : i32 to vector<2048x1xi32>
    %and3A_52 = arith.andi %shift_right_arithmetic3A_49, %and3A_51 : vector<2048x1xi32>
    %shift_right_arithmetic3A_53 = arith.constant 5 : i32
    %shift_right_arithmetic3A_54 = vector.broadcast %shift_right_arithmetic3A_53 : i32 to vector<2048x128xi32>
    %shift_right_arithmetic3A_55 = arith.shrsi %iota3A, %shift_right_arithmetic3A_54 : vector<2048x128xi32>
    %eq3A_56 = vector.broadcast %and3A_46 : vector<2048x1xi32> to vector<2048x128xi32>
    %eq3A_57 = arith.cmpi eq, %shift_right_arithmetic3A_55, %eq3A_56 : vector<2048x128xi32>
    %jit3A = arith.constant 0.000000e+00 : f32
    %broadcast_in_dim3A_58 = vector.broadcast %jit3A : f32 to vector<2048x128xf32>
    %select_n3A_59 = arith.select %eq3A_57, %bitcast_convert_type3A_40, %broadcast_in_dim3A_58 : vector<2048x128xi1>, vector<2048x128xf32>
    %shift_right_arithmetic3A_60 = arith.constant 5 : i32
    %shift_right_arithmetic3A_61 = vector.broadcast %shift_right_arithmetic3A_60 : i32 to vector<2048x128xi32>
    %shift_right_arithmetic3A_62 = arith.shrsi %iota3A, %shift_right_arithmetic3A_61 : vector<2048x128xi32>
    %eq3A_63 = vector.broadcast %and3A_52 : vector<2048x1xi32> to vector<2048x128xi32>
    %eq3A_64 = arith.cmpi eq, %shift_right_arithmetic3A_62, %eq3A_63 : vector<2048x128xi32>
    %jit3A_65 = arith.constant 0.000000e+00 : f32
    %broadcast_in_dim3A_66 = vector.broadcast %jit3A_65 : f32 to vector<2048x128xf32>
    %select_n3A_67 = arith.select %eq3A_64, %bitcast_convert_type3A_41, %broadcast_in_dim3A_66 : vector<2048x128xi1>, vector<2048x128xf32>
    %iota3A_68 = tpu.iota {dimensions = array<i32: 1>} : vector<128x15xi32>
    %iota3A_69 = tpu.iota {dimensions = array<i32: 0>} : vector<128x15xi32>
    %jit3A_70 = arith.constant 32 : i32
    %eq3A_71 = arith.constant 0 : i32
    %eq3A_72 = arith.cmpi eq, %jit3A_70, %eq3A_71 : i32
    %jit3A_73 = arith.constant 1 : i32
    %select_n3A_74 = arith.select %eq3A_72, %jit3A_73, %jit3A_70 : i32
    %rem3A = vector.broadcast %select_n3A_74 : i32 to vector<128x15xi32>
    %rem3A_75 = arith.remsi %iota3A_69, %rem3A : vector<128x15xi32>
    %ne3A = arith.constant 0 : i32
    %ne3A_76 = vector.broadcast %ne3A : i32 to vector<128x15xi32>
    %ne3A_77 = arith.cmpi ne, %rem3A_75, %ne3A_76 : vector<128x15xi32>
    %lt3A = arith.constant 0 : i32
    %lt3A_78 = vector.broadcast %lt3A : i32 to vector<128x15xi32>
    %lt3A_79 = arith.cmpi slt, %rem3A_75, %lt3A_78 : vector<128x15xi32>
    %lt3A_80 = arith.constant 0 : i32
    %lt3A_81 = arith.cmpi slt, %select_n3A_74, %lt3A_80 : i32
    %ne3A_82 = vector.broadcast %lt3A_81 : i1 to vector<128x15xi1>
    %ne3A_83 = vector.broadcast %ne3A_82 : vector<128x15xi1> to vector<128x15xi1>
    %ne3A_84 = arith.xori %lt3A_79, %ne3A_83 : vector<128x15xi1>
    %and3A_85 = arith.andi %ne3A_84, %ne3A_77 : vector<128x15xi1>
    %add3A = vector.broadcast %select_n3A_74 : i32 to vector<128x15xi32>
    %add3A_86 = arith.addi %rem3A_75, %add3A : vector<128x15xi32>
    %select_n3A_87 = arith.select %and3A_85, %add3A_86, %rem3A_75 : vector<128x15xi1>, vector<128x15xi32>
    %eq3A_88 = arith.cmpi eq, %select_n3A_87, %iota3A_68 : vector<128x15xi32>
    %convert_element_type3A = arith.extui %eq3A_88 : vector<128x15xi1> to vector<128x15xi32>
    %convert_element_type3A_89 = arith.sitofp %convert_element_type3A : vector<128x15xi32> to vector<128x15xf32>
    %iota3A_90 = tpu.iota {dimensions = array<i32: 1>} : vector<128x5xi32>
    %iota3A_91 = tpu.iota {dimensions = array<i32: 0>} : vector<128x5xi32>
    %jit3A_92 = arith.constant 32 : i32
    %eq3A_93 = arith.constant 0 : i32
    %eq3A_94 = arith.cmpi eq, %jit3A_92, %eq3A_93 : i32
    %jit3A_95 = arith.constant 1 : i32
    %select_n3A_96 = arith.select %eq3A_94, %jit3A_95, %jit3A_92 : i32
    %rem3A_97 = vector.broadcast %select_n3A_96 : i32 to vector<128x5xi32>
    %rem3A_98 = arith.remsi %iota3A_91, %rem3A_97 : vector<128x5xi32>
    %ne3A_99 = arith.constant 0 : i32
    %ne3A_100 = vector.broadcast %ne3A_99 : i32 to vector<128x5xi32>
    %ne3A_101 = arith.cmpi ne, %rem3A_98, %ne3A_100 : vector<128x5xi32>
    %lt3A_102 = arith.constant 0 : i32
    %lt3A_103 = vector.broadcast %lt3A_102 : i32 to vector<128x5xi32>
    %lt3A_104 = arith.cmpi slt, %rem3A_98, %lt3A_103 : vector<128x5xi32>
    %lt3A_105 = arith.constant 0 : i32
    %lt3A_106 = arith.cmpi slt, %select_n3A_96, %lt3A_105 : i32
    %ne3A_107 = vector.broadcast %lt3A_106 : i1 to vector<128x5xi1>
    %ne3A_108 = vector.broadcast %ne3A_107 : vector<128x5xi1> to vector<128x5xi1>
    %ne3A_109 = arith.xori %lt3A_104, %ne3A_108 : vector<128x5xi1>
    %and3A_110 = arith.andi %ne3A_109, %ne3A_101 : vector<128x5xi1>
    %add3A_111 = vector.broadcast %select_n3A_96 : i32 to vector<128x5xi32>
    %add3A_112 = arith.addi %rem3A_98, %add3A_111 : vector<128x5xi32>
    %select_n3A_113 = arith.select %and3A_110, %add3A_112, %rem3A_98 : vector<128x5xi1>, vector<128x5xi32>
    %add3A_114 = arith.constant 16 : i32
    %add3A_115 = vector.broadcast %add3A_114 : i32 to vector<128x5xi32>
    %add3A_116 = arith.addi %add3A_115, %iota3A_90 : vector<128x5xi32>
    %eq3A_117 = arith.cmpi eq, %select_n3A_113, %add3A_116 : vector<128x5xi32>
    %convert_element_type3A_118 = arith.extui %eq3A_117 : vector<128x5xi1> to vector<128x5xi32>
    %convert_element_type3A_119 = arith.sitofp %convert_element_type3A_118 : vector<128x5xi32> to vector<128x5xf32>
    %dot_general3A = arith.constant dense<0.000000e+00> : vector<2048x15xf32>
    %dot_general3A_120 = tpu.matmul %select_n3A_59, %convert_element_type3A_89, %dot_general3A {dimension_numbers = #tpu.dot_dimension_numbers<[1], [0], [0], [1], [0, 0, 1, 1], [], []>, transpose_lhs_hint = false} : vector<2048x128xf32>, vector<128x15xf32>, vector<2048x15xf32> -> vector<2048x15xf32>
    %dot_general3A_121 = arith.constant dense<0.000000e+00> : vector<2048x15xf32>
    %dot_general3A_122 = tpu.matmul %select_n3A_67, %convert_element_type3A_89, %dot_general3A_121 {dimension_numbers = #tpu.dot_dimension_numbers<[1], [0], [0], [1], [0, 0, 1, 1], [], []>, transpose_lhs_hint = false} : vector<2048x128xf32>, vector<128x15xf32>, vector<2048x15xf32> -> vector<2048x15xf32>
    %dot_general3A_123 = arith.constant dense<0.000000e+00> : vector<2048x5xf32>
    %dot_general3A_124 = tpu.matmul %select_n3A_59, %convert_element_type3A_119, %dot_general3A_123 {dimension_numbers = #tpu.dot_dimension_numbers<[1], [0], [0], [1], [0, 0, 1, 1], [], []>, transpose_lhs_hint = false} : vector<2048x128xf32>, vector<128x5xf32>, vector<2048x5xf32> -> vector<2048x5xf32>
    %dot_general3A_125 = arith.constant dense<0.000000e+00> : vector<2048x5xf32>
    %dot_general3A_126 = tpu.matmul %select_n3A_67, %convert_element_type3A_119, %dot_general3A_125 {dimension_numbers = #tpu.dot_dimension_numbers<[1], [0], [0], [1], [0, 0, 1, 1], [], []>, transpose_lhs_hint = false} : vector<2048x128xf32>, vector<128x5xf32>, vector<2048x5xf32> -> vector<2048x5xf32>
    %add3A_127 = arith.addf %dot_general3A_120, %dot_general3A_122 : vector<2048x15xf32>
    %get3A_128 = arith.constant 0 : index
    %get3A_129 = arith.constant 0 : index
    %get3A_130 = vector.load %arg5[%get3A_128, %get3A_129] : memref<1x15xf32, #tpu.memory_space<vmem>>, vector<1x15xf32>
    %add3A_131 = vector.broadcast %get3A_130 : vector<1x15xf32> to vector<2048x15xf32>
    %add3A_132 = arith.addf %add3A_127, %add3A_131 : vector<2048x15xf32>
    %max3A = arith.constant 0.000000e+00 : f32
    %max3A_133 = vector.broadcast %max3A : f32 to vector<2048x15xf32>
    %max3A_134 = arith.maximumf %add3A_132, %max3A_133 : vector<2048x15xf32>
    %get3A_135 = arith.constant 0 : index
    %get3A_136 = arith.constant 0 : index
    %get3A_137 = vector.load %arg6[%get3A_135, %get3A_136] : memref<15x5xf32, #tpu.memory_space<vmem>>, vector<15x5xf32>
    %dot_general3A_138 = arith.constant dense<0.000000e+00> : vector<2048x5xf32>
    %dot_general3A_139 = tpu.matmul %max3A_134, %get3A_137, %dot_general3A_138 {dimension_numbers = #tpu.dot_dimension_numbers<[1], [0], [0], [1], [0, 0, 1, 1], [], []>, transpose_lhs_hint = false} : vector<2048x15xf32>, vector<15x5xf32>, vector<2048x5xf32> -> vector<2048x5xf32>
    %get3A_140 = arith.constant 0 : index
    %get3A_141 = arith.constant 0 : index
    %get3A_142 = vector.load %arg7[%get3A_140, %get3A_141] : memref<1x5xf32, #tpu.memory_space<vmem>>, vector<1x5xf32>
    %add3A_143 = vector.broadcast %get3A_142 : vector<1x5xf32> to vector<2048x5xf32>
    %add3A_144 = arith.addf %dot_general3A_139, %add3A_143 : vector<2048x5xf32>
    %add3A_145 = arith.addf %add3A_144, %dot_general3A_124 : vector<2048x5xf32>
    %add3A_146 = arith.addf %add3A_145, %dot_general3A_126 : vector<2048x5xf32>
    %swap3A = arith.constant 0 : index
    %swap3A_147 = arith.constant 0 : index
    %swap3A_148 = vector.load %arg8[%swap3A, %swap3A_147] : memref<2048x5xf32, #tpu.memory_space<vmem>>, vector<2048x5xf32>
    tpu.vector_store %arg8[%swap3A, %swap3A_147], %add3A_146 {strides = array<i32>} : memref<2048x5xf32, #tpu.memory_space<vmem>>, vector<2048x5xf32>,
    return
  }
  func.func @transform_0(%arg0: i32) -> (i32, i32) {
    %c0_i32 = arith.constant 0 : i32
    %c0_i32_0 = arith.constant 0 : i32
    return %arg0, %c0_i32 : i32, i32
  }
  func.func @transform_1(%arg0: i32) -> (i32, i32) {
    %c0_i32 = arith.constant 0 : i32
    %c0_i32_0 = arith.constant 0 : i32
    return %arg0, %c0_i32 : i32, i32
  }
  func.func @transform_2(%arg0: i32) -> (i32, i32) {
    %c0_i32 = arith.constant 0 : i32
    %c0_i32_0 = arith.constant 0 : i32
    return %c0_i32, %arg0 : i32, i32
  }
  func.func @transform_3(%arg0: i32) -> (i32, i32) {
    %c0_i32 = arith.constant 0 : i32
    %c0_i32_0 = arith.constant 0 : i32
    return %c0_i32, %arg0 : i32, i32
  }
  func.func @transform_4(%arg0: i32) -> (i32, i32) {
    %c0_i32 = arith.constant 0 : i32
    %c0_i32_0 = arith.constant 0 : i32
    %c0_i32_1 = arith.constant 0 : i32
    return %c0_i32, %c0_i32_0 : i32, i32
  }
  func.func @transform_5(%arg0: i32) -> (i32, i32) {
    %c0_i32 = arith.constant 0 : i32
    %c0_i32_0 = arith.constant 0 : i32
    %c0_i32_1 = arith.constant 0 : i32
    return %c0_i32, %c0_i32_0 : i32, i32
  }
  func.func @transform_6(%arg0: i32) -> (i32, i32) {
    %c0_i32 = arith.constant 0 : i32
    %c0_i32_0 = arith.constant 0 : i32
    %c0_i32_1 = arith.constant 0 : i32
    return %c0_i32, %c0_i32_0 : i32, i32
  }
  func.func @transform_7(%arg0: i32) -> (i32, i32) {
    %c0_i32 = arith.constant 0 : i32
    %c0_i32_0 = arith.constant 0 : i32
    return %arg0, %c0_i32 : i32, i32
  }
}

module attributes {stable_mosaic.version = 14 : i64} {
  func.func @_pack_body(%arg0: i32, %arg1: memref<32x16384xf32, #tpu.memory_space<vmem>>, %arg2: memref<5x16384xf32, #tpu.memory_space<vmem>>, %arg3: memref<32x32xf32, #tpu.memory_space<vmem>>, %arg4: memref<5x32xf32, #tpu.memory_space<vmem>>, %arg5: memref<2048x128xf32, #tpu.memory_space<vmem>>) attributes {dimension_semantics = [#tpu.dimension_semantics<arbitrary>], iteration_bounds = array<i64: 62>, scalar_prefetch = 0 : i64, scratch_operands = 0 : i64, tpu.core_type = #tpu.core_type<tc>, window_params = [{transform_indices = @transform_0, window_bounds = array<i64: 32, 16384>}, {transform_indices = @transform_1, window_bounds = array<i64: 5, 16384>}, {pipeline_mode = #tpu.pipeline_mode<synchronous>, transform_indices = @transform_2, window_bounds = array<i64: 32, 32>}, {pipeline_mode = #tpu.pipeline_mode<synchronous>, transform_indices = @transform_3, window_bounds = array<i64: 5, 32>}, {transform_indices = @transform_4, window_bounds = array<i64: 2048, 128>}]} {
    %get3A = arith.constant 0 : index
    %get3A_0 = arith.constant 0 : index
    %get3A_1 = vector.load %arg1[%get3A, %get3A_0] : memref<32x16384xf32, #tpu.memory_space<vmem>>, vector<32x16384xf32>
    %convert_element_type3A = arith.truncf %get3A_1 : vector<32x16384xf32> to vector<32x16384xbf16>
    %get3A_2 = arith.constant 0 : index
    %get3A_3 = arith.constant 0 : index
    %get3A_4 = vector.load %arg2[%get3A_2, %get3A_3] : memref<5x16384xf32, #tpu.memory_space<vmem>>, vector<5x16384xf32>
    %convert_element_type3A_5 = arith.truncf %get3A_4 : vector<5x16384xf32> to vector<5x16384xbf16>
    %get3A_6 = arith.constant 0 : index
    %get3A_7 = arith.constant 0 : index
    %get3A_8 = vector.load %arg3[%get3A_6, %get3A_7] : memref<32x32xf32, #tpu.memory_space<vmem>>, vector<32x32xf32>
    %convert_element_type3A_9 = arith.truncf %get3A_8 : vector<32x32xf32> to vector<32x32xbf16>
    %get3A_10 = arith.constant 0 : index
    %get3A_11 = arith.constant 0 : index
    %get3A_12 = vector.load %arg4[%get3A_10, %get3A_11] : memref<5x32xf32, #tpu.memory_space<vmem>>, vector<5x32xf32>
    %convert_element_type3A_13 = arith.truncf %get3A_12 : vector<5x32xf32> to vector<5x32xbf16>
    %slice3A = vector.extract_strided_slice %convert_element_type3A {offsets = [0, 0], sizes = [32, 4096], strides = [1, 1]} : vector<32x16384xbf16> to vector<32x4096xbf16>
    %dot_general3A = arith.constant dense<0.000000e+00> : vector<4096x32xf32>
    %dot_general3A_14 = tpu.matmul %slice3A, %convert_element_type3A_9, %dot_general3A {dimension_numbers = #tpu.dot_dimension_numbers<[0], [0], [1], [1], [0, 1, 1, 1], [], []>, transpose_lhs_hint = false} : vector<32x4096xbf16>, vector<32x32xbf16>, vector<4096x32xf32> -> vector<4096x32xf32>
    %slice3A_15 = vector.extract_strided_slice %convert_element_type3A_5 {offsets = [0, 0], sizes = [5, 4096], strides = [1, 1]} : vector<5x16384xbf16> to vector<5x4096xbf16>
    %dot_general3A_16 = arith.constant dense<0.000000e+00> : vector<4096x32xf32>
    %dot_general3A_17 = tpu.matmul %slice3A_15, %convert_element_type3A_13, %dot_general3A_16 {dimension_numbers = #tpu.dot_dimension_numbers<[0], [0], [1], [1], [0, 1, 1, 1], [], []>, transpose_lhs_hint = false} : vector<5x4096xbf16>, vector<5x32xbf16>, vector<4096x32xf32> -> vector<4096x32xf32>
    %add3A = arith.addf %dot_general3A_14, %dot_general3A_17 : vector<4096x32xf32>
    %convert_element_type3A_18 = arith.truncf %add3A : vector<4096x32xf32> to vector<4096x32xbf16>
    %bitcast3A = tpu.bitcast %convert_element_type3A_18 : vector<4096x32xbf16> -> vector<2048x32xf32>
    %slice3A_19 = vector.extract_strided_slice %convert_element_type3A {offsets = [0, 4096], sizes = [32, 4096], strides = [1, 1]} : vector<32x16384xbf16> to vector<32x4096xbf16>
    %dot_general3A_20 = arith.constant dense<0.000000e+00> : vector<4096x32xf32>
    %dot_general3A_21 = tpu.matmul %slice3A_19, %convert_element_type3A_9, %dot_general3A_20 {dimension_numbers = #tpu.dot_dimension_numbers<[0], [0], [1], [1], [0, 1, 1, 1], [], []>, transpose_lhs_hint = false} : vector<32x4096xbf16>, vector<32x32xbf16>, vector<4096x32xf32> -> vector<4096x32xf32>
    %slice3A_22 = vector.extract_strided_slice %convert_element_type3A_5 {offsets = [0, 4096], sizes = [5, 4096], strides = [1, 1]} : vector<5x16384xbf16> to vector<5x4096xbf16>
    %dot_general3A_23 = arith.constant dense<0.000000e+00> : vector<4096x32xf32>
    %dot_general3A_24 = tpu.matmul %slice3A_22, %convert_element_type3A_13, %dot_general3A_23 {dimension_numbers = #tpu.dot_dimension_numbers<[0], [0], [1], [1], [0, 1, 1, 1], [], []>, transpose_lhs_hint = false} : vector<5x4096xbf16>, vector<5x32xbf16>, vector<4096x32xf32> -> vector<4096x32xf32>
    %add3A_25 = arith.addf %dot_general3A_21, %dot_general3A_24 : vector<4096x32xf32>
    %convert_element_type3A_26 = arith.truncf %add3A_25 : vector<4096x32xf32> to vector<4096x32xbf16>
    %bitcast3A_27 = tpu.bitcast %convert_element_type3A_26 : vector<4096x32xbf16> -> vector<2048x32xf32>
    %slice3A_28 = vector.extract_strided_slice %convert_element_type3A {offsets = [0, 8192], sizes = [32, 4096], strides = [1, 1]} : vector<32x16384xbf16> to vector<32x4096xbf16>
    %dot_general3A_29 = arith.constant dense<0.000000e+00> : vector<4096x32xf32>
    %dot_general3A_30 = tpu.matmul %slice3A_28, %convert_element_type3A_9, %dot_general3A_29 {dimension_numbers = #tpu.dot_dimension_numbers<[0], [0], [1], [1], [0, 1, 1, 1], [], []>, transpose_lhs_hint = false} : vector<32x4096xbf16>, vector<32x32xbf16>, vector<4096x32xf32> -> vector<4096x32xf32>
    %slice3A_31 = vector.extract_strided_slice %convert_element_type3A_5 {offsets = [0, 8192], sizes = [5, 4096], strides = [1, 1]} : vector<5x16384xbf16> to vector<5x4096xbf16>
    %dot_general3A_32 = arith.constant dense<0.000000e+00> : vector<4096x32xf32>
    %dot_general3A_33 = tpu.matmul %slice3A_31, %convert_element_type3A_13, %dot_general3A_32 {dimension_numbers = #tpu.dot_dimension_numbers<[0], [0], [1], [1], [0, 1, 1, 1], [], []>, transpose_lhs_hint = false} : vector<5x4096xbf16>, vector<5x32xbf16>, vector<4096x32xf32> -> vector<4096x32xf32>
    %add3A_34 = arith.addf %dot_general3A_30, %dot_general3A_33 : vector<4096x32xf32>
    %convert_element_type3A_35 = arith.truncf %add3A_34 : vector<4096x32xf32> to vector<4096x32xbf16>
    %bitcast3A_36 = tpu.bitcast %convert_element_type3A_35 : vector<4096x32xbf16> -> vector<2048x32xf32>
    %slice3A_37 = vector.extract_strided_slice %convert_element_type3A {offsets = [0, 12288], sizes = [32, 4096], strides = [1, 1]} : vector<32x16384xbf16> to vector<32x4096xbf16>
    %dot_general3A_38 = arith.constant dense<0.000000e+00> : vector<4096x32xf32>
    %dot_general3A_39 = tpu.matmul %slice3A_37, %convert_element_type3A_9, %dot_general3A_38 {dimension_numbers = #tpu.dot_dimension_numbers<[0], [0], [1], [1], [0, 1, 1, 1], [], []>, transpose_lhs_hint = false} : vector<32x4096xbf16>, vector<32x32xbf16>, vector<4096x32xf32> -> vector<4096x32xf32>
    %slice3A_40 = vector.extract_strided_slice %convert_element_type3A_5 {offsets = [0, 12288], sizes = [5, 4096], strides = [1, 1]} : vector<5x16384xbf16> to vector<5x4096xbf16>
    %dot_general3A_41 = arith.constant dense<0.000000e+00> : vector<4096x32xf32>
    %dot_general3A_42 = tpu.matmul %slice3A_40, %convert_element_type3A_13, %dot_general3A_41 {dimension_numbers = #tpu.dot_dimension_numbers<[0], [0], [1], [1], [0, 1, 1, 1], [], []>, transpose_lhs_hint = false} : vector<5x4096xbf16>, vector<5x32xbf16>, vector<4096x32xf32> -> vector<4096x32xf32>
    %add3A_43 = arith.addf %dot_general3A_39, %dot_general3A_42 : vector<4096x32xf32>
    %convert_element_type3A_44 = arith.truncf %add3A_43 : vector<4096x32xf32> to vector<4096x32xbf16>
    %bitcast3A_45 = tpu.bitcast %convert_element_type3A_44 : vector<4096x32xbf16> -> vector<2048x32xf32>
    %concatenate3A = tpu.concatenate %bitcast3A, %bitcast3A_27, %bitcast3A_36, %bitcast3A_45 in 1 : vector<2048x32xf32>, vector<2048x32xf32>, vector<2048x32xf32>, vector<2048x32xf32> -> vector<2048x128xf32>
    %swap3A = arith.constant 0 : index
    %swap3A_46 = arith.constant 0 : index
    %swap3A_47 = vector.load %arg5[%swap3A, %swap3A_46] : memref<2048x128xf32, #tpu.memory_space<vmem>>, vector<2048x128xf32>
    tpu.vector_store %arg5[%swap3A, %swap3A_46], %concatenate3A {strides = array<i32>} : memref<2048x128xf32, #tpu.memory_space<vmem>>, vector<2048x128xf32>,
    return
  }
  func.func @transform_0(%arg0: i32) -> (i32, i32) {
    %c0_i32 = arith.constant 0 : i32
    %c0_i32_0 = arith.constant 0 : i32
    return %c0_i32, %arg0 : i32, i32
  }
  func.func @transform_1(%arg0: i32) -> (i32, i32) {
    %c0_i32 = arith.constant 0 : i32
    %c0_i32_0 = arith.constant 0 : i32
    return %c0_i32, %arg0 : i32, i32
  }
  func.func @transform_2(%arg0: i32) -> (i32, i32) {
    %c0_i32 = arith.constant 0 : i32
    %c0_i32_0 = arith.constant 0 : i32
    %c0_i32_1 = arith.constant 0 : i32
    return %c0_i32, %c0_i32_0 : i32, i32
  }
  func.func @transform_3(%arg0: i32) -> (i32, i32) {
    %c0_i32 = arith.constant 0 : i32
    %c0_i32_0 = arith.constant 0 : i32
    %c0_i32_1 = arith.constant 0 : i32
    return %c0_i32, %c0_i32_0 : i32, i32
  }
  func.func @transform_4(%arg0: i32) -> (i32, i32) {
    %c0_i32 = arith.constant 0 : i32
    %c0_i32_0 = arith.constant 0 : i32
    return %arg0, %c0_i32 : i32, i32
  }
}

</mosaic_0001>

<sc_bundles>
// kernel: kernel.6.cloned.1.call-start
scs
__scs_entry_jumppad:
0x0: {  	(pc) =	sbr.rel $0x88, $3  }
0x1: {  	(tag) =	ssettag $0x0;
	lr =	simm.s32 $0x1  }
0x2: {  	[smem:$0x3F97] =	sst lr;
	_ =	strace $0xD0000000  }
0x3: {  	_ = 	snop  }
0x4: {  	_ = 	snop  }
0x5: {  	_ = 	snop  }
0x6: {  	_ = 	snop  }
0x7: {  	_ = 	snop  }
__scs_overlays_trampoline_lowered:
0x8: {  	[smem:$0x3FA6] =	sst s0  }
0x9: {  	[smem:$0x3FA7] =	sst s1  }
0xa: {  	[smem:$0x3FA8] =	sst s2  }
0xb: {  	[smem:$0x3FA9] =	sst s3  }
0xc: {  	[smem:$0x3FAA] =	sst s4  }
0xd: {  	[smem:$0x3FAB] =	sst s5  }
0xe: {  	[smem:$0x3FAC] =	sst s6  }
0xf: {  	[smem:$0x3FAD] =	sst s7  }
0x10: {  	[smem:$0x3FAE] =	sst s8  }
0x11: {  	[smem:$0x3FAF] =	sst s9;
	s0 =	simm.s32 @!p0 $0x0  }
0x12: {  	s1 =	sld [smem:$0x3F95];
	s0 =	simm.s32 @p0 $0x1  }
0x13: {  	[smem:$0x3FB0] =	sst s0;
	s0 =	simm.s32 @!p1 $0x0  }
0x14: {  	s2 =	sld [smem:$0x3F94];
	s0 =	simm.s32 @p1 $0x1  }
0x15: {  	[smem:$0x3FB1] =	sst s0;
	s0 =	simm.s32 @!p2 $0x0  }
0x16: {  	s3 =	sld [smem:$0x3FDB];
	s0 =	simm.s32 @p2 $0x1  }
0x17: {  	s4 =	simm.s32 $0x1BF5;
	[smem:$0x3FB3] =	sst s0  }
0x18: {  	s0 =	sld [smem:$0x3F96];
	_ =	swait.ge [sflag:s4], $0x0  }
0x19: {  	s7 =	sld [smem:$0x3F97]  }
0x1a: {  	s8 =	sadd.s32 $0xFFFFE003, lr  }
0x1b: {  	s9 =	sadd.s32 $0xFFFFFEF7, lr;
	s5 =	simm.s32 $0xFFFFFFFF;
	p2 =	slt.u32 s8, $0xFFFFF086  }
0x1c: {  	p1 =	slt.u32 s9, $0xF7A;
	s5 =	simm.s32 @!p2 $0x0  }
0x1d: {  	s5 =	simm.s32 @p1 $0x1;
	p0 =	seq.s32 s7, s2  }
0x1e: {  	s7 =	smul.u32 @!p0 $0xF7A, s2;
	p2 =	seq.s32 @!p0 s5, $0x0  }
0x1f: {  	s9 =	smul.u32 $0xF7A, s1;
	s8 =	simm.s32 @!p0 $0x1BF5;
	p2 =	por !p2, p0  }
0x20: {  	[sflag:s8] =	ssyncset.s32 @!p0 $0xFFFFF086;
	s6 =	sadd.s32 @!p0 s3, s7;
	s7 =	simm.s32 @!p0 $0x108  }
0x21: {  	s3 =	sadd.s32 s3, s9;
	s6 =	sadd.s32 @!p0 $0x88, s6;
	s7 =	simm.s32 @p2 $0x1082  }
0x22: {  	[simem:s7], [sflag:s8] =	dma.local @!p0 [hbm:s6], $0xF7A  }
0x23: {  	s9 =	sor.u32 $0xD0000000, s2;
	s6 =	simm.s32 $0x108;
	_ =	swait.ge @!p0 [sflag:s8], $0x0  }
0x24: {  	s3 =	sadd.s32 $0x88, s3;
	s6 =	simm.s32 @!p1 $0x1082;
	[sflag:s4] =	ssyncset.s32 $0xFFFFF086  }
0x25: {  	[simem:s6], [sflag:s4] =	dma.local [hbm:s3], $0xF7A  }
0x26: {  	[smem:$0x3F97] =	sst s1;
	(tag) =	ssettag s2;
	_ =	strace s9  }
0x27: {  	s1 =	sld [smem:$0x3FA7]  }
0x28: {  	s2 =	sld [smem:$0x3FA8]  }
0x29: {  	s4 =	sld [smem:$0x3FAA]  }
0x2a: {  	p0 =	seq.s32 s5, $0x0;
	s5 =	sld [smem:$0x3FAB]  }
0x2b: {  	s6 =	sld [smem:$0x3FAC]  }
0x2c: {  	s7 =	sld [smem:$0x3FAD]  }
0x2d: {  	s3 =	simm.s32 $0x108;
	s8 =	sld [smem:$0x3FAE]  }
0x2e: {  	s3 =	simm.s32 @!p0 $0x1082;
	s9 =	sld [smem:$0x3FAF]  }
0x2f: {  	lr =	sadd.s32 s0, s3;
	s0 =	sld [smem:$0x3FA6]  }
0x30: {  	s3 =	sld [smem:$0x3FA9]  }
0x31: {  	[smem:$0x3FB2] =	sst s10  }
0x32: {  	s10 =	sld [smem:$0x3FB0];
	_ =	sdelay $0x3  }
0x33: {  	p0 =	seq.s32 s10, $0x1;
	s10 =	sld [smem:$0x3FB2];
	_ =	sdelay $0x3  }
0x34: {  	[smem:$0x3FB2] =	sst s10  }
0x35: {  	s10 =	sld [smem:$0x3FB1];
	_ =	sdelay $0x3  }
0x36: {  	p1 =	seq.s32 s10, $0x1;
	s10 =	sld [smem:$0x3FB2];
	_ =	sdelay $0x3  }
0x37: {  	[smem:$0x3FB2] =	sst s10  }
0x38: {  	s10 =	sld [smem:$0x3FB3]  }
0x39: {  	_ = 	snop;
	(pc) =	sbr.ind lr, $3  }
0x3a: {  	_ = 	snop  }
0x3b: {  	_ = 	snop  }
0x3c: {  	p2 =	seq.s32 s10, $0x1;
	s10 =	sld [smem:$0x3FB2]  }
0x3d: {  	_ =	shalt  }
0x3e: {  	_ =	shalt  }
0x3f: {  	_ =	shalt  }
0x40: {  	_ =	shalt  }
0x41: {  	_ =	shalt  }
0x42: {  	_ =	shalt  }
0x43: {  	_ =	shalt  }
0x44: {  	_ =	shalt  }
0x45: {  	_ =	shalt  }
0x46: {  	_ =	shalt  }
0x47: {  	_ =	shalt  }
0x48: {  	_ =	shalt  }
0x49: {  	_ =	shalt  }
0x4a: {  	_ =	shalt  }
0x4b: {  	_ =	shalt  }
0x4c: {  	_ =	shalt  }
0x4d: {  	_ =	shalt  }
0x4e: {  	_ =	shalt  }
0x4f: {  	_ =	shalt  }
0x50: {  	_ =	shalt  }
0x51: {  	_ =	shalt  }
0x52: {  	_ =	shalt  }
0x53: {  	_ =	shalt  }
0x54: {  	_ =	shalt  }
0x55: {  	_ =	shalt  }
0x56: {  	_ =	shalt  }
0x57: {  	_ =	shalt  }
0x58: {  	_ =	shalt  }
0x59: {  	_ =	shalt  }
0x5a: {  	_ =	shalt  }
0x5b: {  	_ =	shalt  }
0x5c: {  	_ =	shalt  }
0x5d: {  	_ =	shalt  }
0x5e: {  	_ =	shalt  }
0x5f: {  	_ =	shalt  }
0x60: {  	_ =	shalt  }
0x61: {  	_ =	shalt  }
0x62: {  	_ =	shalt  }
0x63: {  	_ =	shalt  }
0x64: {  	_ =	shalt  }
0x65: {  	_ =	shalt  }
0x66: {  	_ =	shalt  }
0x67: {  	_ =	shalt  }
0x68: {  	_ =	shalt  }
0x69: {  	_ =	shalt  }
0x6a: {  	_ =	shalt  }
0x6b: {  	_ =	shalt  }
0x6c: {  	_ =	shalt  }
0x6d: {  	_ =	shalt  }
0x6e: {  	_ =	shalt  }
0x6f: {  	_ =	shalt  }
0x70: {  	_ =	shalt  }
0x71: {  	_ =	shalt  }
0x72: {  	_ =	shalt  }
0x73: {  	_ =	shalt  }
0x74: {  	_ =	shalt  }
0x75: {  	_ =	shalt  }
0x76: {  	_ =	shalt  }
0x77: {  	_ =	shalt  }
0x78: {  	_ =	shalt  }
0x79: {  	_ =	shalt  }
0x7a: {  	_ =	shalt  }
0x7b: {  	_ =	shalt  }
0x7c: {  	_ =	shalt  }
0x7d: {  	_ =	shalt  }
0x7e: {  	_ =	shalt  }
0x7f: {  	_ =	shalt  }
0x80: {  	_ =	shalt  }
0x81: {  	_ =	shalt  }
0x82: {  	_ =	shalt  }
0x83: {  	_ =	shalt  }
0x84: {  	_ =	shalt  }
0x85: {  	_ =	shalt  }
0x86: {  	_ =	shalt  }
0x87: {  	_ =	shalt  }
.Lfunc_end0:
.L_simem_size_0:
called_computation_lowered:
.L_overlay_start_0:
0x88: {  	s2 =	sld [smem:$0x3FD9]  }
0x89: {  	s3 =	sld [smem:$0x3FFE];
	_ =	sdelay $0x1  }
0x8a: {  	s1 =	srdreg.scid  }
0x8b: {  	s0 =	sand.u32 $0x1, s1  }
0x8c: {  	s17 =	sshll.u32 s0, $0xA;
	s2 =	sadd.s32 s3, s2  }
0x8d: {  	s2 =	sadd.s32 s2, s17  }
0x8e: {  	[smem:$0x3FBE] =	sst s2  }
0x8f: {  	_ = 	snop  }
0x90: {  	s2 =	sld [smem:$0x3FC9]  }
0x91: {  	s18 =	sld [smem:$0x3FC8];
	(tm) =	ssettm $0x1  }
0x92: {  	s4 =	sld [smem:$0x3FFB];
	_ =	sdelay $0x3  }
0x93: {  	_ =	strace s4  }
0x94: {  	s4 =	sld [smem:$0x3FFC];
	_ =	sdelay $0x3  }
0x95: {  	_ =	strace s4  }
0x96: {  	s4 =	sld [smem:$0x3FFD];
	_ =	sdelay $0x3  }
0x97: {  	_ =	strace s4  }
0x98: {  	_ =	strace $0x8FFFFFFF  }
0x99: {  	s19 =	sld [smem:$0x3FDB];
	_ =	sdelay $0x1  }
0x9a: {  	s5 =	simm.s32 $_scs_section_size  }
0x9b: {  	s6 =	simm.s32 $_size__tile_overlayer_lowered;
	s7 =	simm.s32 $_tile_overlayer_lowered  }
0x9c: {  	s22 =	simm.s32 $0x1BFF;
	s21 =	sshll.u32 s7, $0x1;
	s4 =	sadd.s32 s5, s19  }
0x9d: {  	s8 =	simm.s32 $0x0;
	s20 =	sshll.u32 s6, $0x1;
	s6 =	sadd.s32 s21, s4  }
0x9e: {  	[timem:s8], [sflag:s22] =	dma.local [hbm:s6], s20  }
0x9f: {  	_ =	swait.ge [sflag:s22], s20  }
0xa0: {  	s5 =	ssub.s32 $0x0, s20;
	[sflag:s22] =	ssyncset.done $0x0  }
0xa1: {  	[sflag:s22] =	ssyncadd.s32 s5;
	_ =	sdelay $0x1  }
0xa2: {  	s23 =	simm.s32 $0x1B8B  }
0xa3: {  	_ =	swait.ge [sflag:s23], $0x1  }
0xa4: {  	[sflag:s23] =	ssyncset.done $0x0  }
0xa5: {  	s25 =	simm.s32 $0x1B8E;
	s24 =	sld [smem:$0x3FFE];
	[sflag:s23] =	ssyncadd.s32 $0xFFFFFFFF  }
0xa6: {  	s26 =	simm.s32 $execute0_lowered;
	[smem:$0x3FD2] =	sst s25  }
0xa7: {  	s6 =	sshll.u32 s26, $0x1;
	_ =	strace $0x80000046;
	[dreg:$0x1] =	wrdreg $0xFFFFFFFF  }
0xa8: {  	s28 =	simm.s32 $_size_execute0_lowered;
	s4 =	sadd.s32 s4, s6;
	[dreg:$0x0] =	wrdreg $0x0  }
0xa9: {  	s6 =	sshll.u32 s28, $0x1;
	[dreg:$0x2] =	wrdreg s4  }
0xaa: {  	[dreg:$0x3] =	wrdreg s6  }
0xab: {  	[dreg:$0x4] =	wrdreg $0xC0  }
0xac: {  	_ =	task [dreg:s8], $0x5FFFF  }
0xad: {  	[dreg:$0x1] =	wrdreg $0xFFFFFFFF  }
0xae: {  	[dreg:$0x0] =	wrdreg $0x60  }
0xaf: {  	[dreg:$0x2] =	wrdreg s2  }
0xb0: {  	[dreg:$0x3] =	wrdreg s18  }
0xb1: {  	[dreg:$0x4] =	wrdreg s24  }
0xb2: {  	[dreg:$0x5] =	wrdreg $0x9  }
0xb3: {  	_ =	task.clear_ibuf [dreg:s8], $0x6FFFF;
	_ =	strace $0x90000046  }
0xb4: {  	s29 =	simm.s32 $0x9;
	_ =	strace $0x80000048  }
0xb5: {  	_ =	swait.ge [sflag:s29], $0x1  }
0xb6: {  	[sflag:s29] =	ssyncadd.s32 $0xFFFFFFFF  }
0xb7: {  	_ =	strace $0x90000048  }
0xb8: {  	_ =	sfence  }
0xb9: {  	s30 =	sld [smem:$0x0];
	_ =	sdelay $0x2  }
0xba: {  	s31 =	sshll.u32 s1, $0xD;
	s1 =	sshrl.u32 s1, $0x2  }
0xbb: {  	s3 =	sand.u32 $0x4000, s31;
	s1 =	sadd.s32 s1, s30  }
0xbc: {  	s0 =	sor.u32 s3, s0;
	s1 =	sshll.u32 s1, $0x11  }
0xbd: {  	s0 =	sor.u32 s1, s0  }
0xbe: {  	s0 =	sadd.s32 $0x8F2B, s0  }
0xbf: {  	[sflag:s0] =	ssyncadd.remote.s32 $0x1  }
0xc0: {  	_ =	sfence.sel $0xFFFF  }
0xc1: {  	[dreg:$0x0] =	wrdreg $0xFFFFFFFF;
	(pc) =	sbr.abs _section_cstart, $3  }
0xc2: {  	[dreg:$0x1] =	wrdreg $0xFFFFFFFF  }
0xc3: {  	_ =	task.clear_ibuf [dreg:s8], $0x2FFFF;
	_ =	strace $0x9FFFFFFF  }
0xc4: {  	(tm) =	ssettm $0x7FFFFFFF  }
0xc5: {  	_ =	shalt  }
tec
execute0_lowered:
.L_overlay_start_1:
0x0: {  	(tag) =	ssettag $0x1  }
0x1: {  	s5 =	rddreg [dreg:$0x0]  }
0x2: {  	s6 =	rddreg [dreg:$0x1]  }
0x3: {  	s7 =	rddreg [dreg:$0x2]  }
0x4: {  	s0 =	rddreg [dreg:$0x3];
	s1 =	simm.s32 $0x0  }
0x5: {  	s4 =	srdreg.scid;
	s2 =	stileid.u32;
	s14 =	simm.s32 $0x100  }
0x6: {  	s15 =	simm.s32 $0x400;
	s16 =	simm.s32 $0x800;
	s17 =	simm.s32 $0x600  }
0x7: {  	s18 =	simm.s32 $0x8800;
	s19 =	simm.s32 $0x1;
	s20 =	simm.s32 $0x2  }
0x8: {  	s21 =	simm.s32 $0x500;
	s22 =	simm.s32 $0x700;
	[smem:$0x7FF] =	sst s1  }
0x9: {  	s3 =	sadd.s32 $0x1A00, s7;
	s8 =	sand.u32 $0x1, s4;
	s4 =	sadd.s32 $0x1F1A00, s7  }
0xa: {  	s9 =	sshll.u32 s2, $0xA;
	s11 =	sadd.s32 $0x229A00, s7;
	s10 =	sshll.u32 s8, $0x9  }
0xb: {  	s28 =	sadd.s32 $0x269A00, s7;
	s8 =	ssub.s32 $0x2, s8;
	s9 =	sor.u32 s10, s9  }
0xc: {  	_ =	strace $0x80000047;
	s29 =	sshrl.u32 s8, $0x1;
	s12 =	sshrl.u32 s9, $0x3  }
0xd: {  	s13 =	ssub.s32 s8, s29;
	s30 =	sshll.u32 s9, $0x4;
	s5 =	sadd.s32 s5, s12  }
0xe: {  	s6 =	sadd.s32 s6, s12;
	s7 =	sadd.s32 s11, s30;
	s31 =	sor.u32 $0x1000, s30  }
0xf: {  	s8 =	sadd.s32 s28, s30;
	s12 =	simm.s32 $0x3;
	s9 =	sadd.s32 s11, s31  }
0x10: {  	s10 =	sadd.s32 s28, s31;
	s11 =	smax.u32 s13, $0x1;
	s13 =	simm.s32 $0x200  }
.LBB2_1:
0x11: {  	[tilespmem:s1], [sflag:$0x3] =	stream.linear.gather [hbm4b:s5+s1], $0x200, $0x38;
	[tilespmem:$0x10800] =	vst v63  }
0x12: {  	_ =	swait.ge [sflag:s12], $0x200  }
0x13: {  	[sflag:s12] =	ssyncset.done $0x0  }
0x14: {  	[sflag:s12] =	ssyncadd.s32 $0xFFFFFE00  }
0x15: {  	[tilespmem:s13], [sflag:$0x3] =	stream.linear.gather [hbm4b:s6+s1], $0x200, $0x38;
	[tilespmem:$0x10800] =	vst v63  }
0x16: {  	_ =	swait.ge [sflag:s12], $0x200  }
0x17: {  	[sflag:s12] =	ssyncset.done $0x0  }
0x18: {  	[sflag:s12] =	ssyncadd.s32 $0xFFFFFE00  }
0x19: {  	v0 =	vld [tilespmem:$0x0]  }
0x1a: {  	v1 =	vld [tilespmem:$0x200]  }
0x1b: {  	v2 =	vld [tilespmem:$0x10]  }
0x1c: {  	v4 =	vld [tilespmem:$0x210]  }
0x1d: {  	v5 =	vld [tilespmem:$0x20]  }
0x1e: {  	v7 =	vld [tilespmem:$0x220]  }
0x1f: {  	v8 =	vld [tilespmem:$0x30]  }
0x20: {  	v9 =	vld [tilespmem:$0x230]  }
0x21: {  	v10 =	vld [tilespmem:$0x40]  }
0x22: {  	v11 =	vld [tilespmem:$0x240];
	v3 =	vshra.s32 v0, $0x3  }
0x23: {  	v47 =	vld [tilespmem:$0x290];
	v0 =	vshrl.u32 v0, $0x1;
	v62 =	vshra.s32 v1, $0x3;
	v1 =	vshrl.u32 v1, $0x1  }
0x24: {  	v52 =	vld [tilespmem:$0xB0];
	v6 =	vshra.s32 v2, $0x3;
	v2 =	vshrl.u32 v2, $0x1;
	v12 =	vshra.s32 v4, $0x3  }
0x25: {  	v57 =	vld [tilespmem:$0x2C0];
	v4 =	vshrl.u32 v4, $0x1;
	v14 =	vshra.s32 v5, $0x3;
	v5 =	vshrl.u32 v5, $0x1  }
0x26: {  	v15 =	vshra.s32 v7, $0x3;
	v17 =	vshrl.u32 v7, $0x1;
	v18 =	vshra.s32 v8, $0x3  }
0x27: {  	v8 =	vshrl.u32 v8, $0x1;
	v21 =	vshra.s32 v9, $0x3;
	v22 =	vshrl.u32 v9, $0x1  }
0x28: {  	v23 =	vshra.s32 v10, $0x3;
	v25 =	vshrl.u32 v10, $0x1;
	v26 =	vshra.s32 v11, $0x3  }
0x29: {  	v11 =	vshrl.u32 v11, $0x1;
	v51 =	vshra.s32 v47, $0x3;
	v56 =	vshra.s32 v52, $0x3  }
0x2a: {  	v61 =	vshra.s32 v57, $0x3;
	v3 =	vand.u32 $0xFFFFF800, v3;
	v0 =	vand.u32 $0x7FF, v0  }
0x2b: {  	v1 =	vand.u32 $0x7FF, v1;
	v63 =	vand.u32 $0xFFFFF800, v6;
	v2 =	vand.u32 $0x7FF, v2  }
0x2c: {  	v13 =	vand.u32 $0xFFFFF800, v12;
	v4 =	vand.u32 $0x7FF, v4;
	v5 =	vand.u32 $0x7FF, v5  }
0x2d: {  	v16 =	vand.u32 $0xFFFFF800, v15;
	v6 =	vand.u32 $0x7FF, v17;
	v19 =	vand.u32 $0xFFFFF800, v18;
	v12 =	vld [tilespmem:$0x50]  }
0x2e: {  	v20 =	vand.u32 $0x7FF, v8;
	v7 =	vand.u32 $0xFFFFF800, v21;
	v8 =	vand.u32 $0x7FF, v22;
	v15 =	vld [tilespmem:$0x260]  }
0x2f: {  	v24 =	vand.u32 $0xFFFFF800, v23;
	v9 =	vand.u32 $0x7FF, v25;
	v27 =	vand.u32 $0xFFFFF800, v26;
	v17 =	vld [tilespmem:$0x270]  }
0x30: {  	v28 =	vand.u32 $0x7FF, v11;
	v18 =	vld [tilespmem:$0x80];
	v0 =	vor.u32 v0, v3;
	v3 =	vand.u32 $0xFFFFF800, v62  }
0x31: {  	v22 =	vld [tilespmem:$0xA0];
	v6 =	vor.u32 v6, v16;
	v7 =	vor.u32 v8, v7;
	v1 =	vor.u32 v1, v3  }
0x32: {  	v23 =	vld [tilespmem:$0x2A0];
	v3 =	vor.u32 v2, v63;
	v2 =	vor.u32 v4, v13;
	v4 =	vand.u32 $0xFFFFF800, v14  }
0x33: {  	v25 =	vld [tilespmem:$0x2B0];
	v9 =	vor.u32 v9, v24;
	v8 =	vor.u32 v28, v27;
	v4 =	vor.u32 v5, v4  }
0x34: {  	v26 =	vld [tilespmem:$0xC0];
	v5 =	vor.u32 v20, v19;
	v29 =	vshra.s32 v12, $0x3;
	v30 =	vshrl.u32 v12, $0x1  }
0x35: {  	v16 =	vld [tilespmem:$0x70];
	v37 =	vshra.s32 v15, $0x3;
	v38 =	vshrl.u32 v15, $0x1;
	v42 =	vshra.s32 v17, $0x3  }
0x36: {  	v17 =	vshrl.u32 v17, $0x1;
	v45 =	vshra.s32 v18, $0x3;
	v46 =	vshrl.u32 v18, $0x1  }
0x37: {  	v18 =	vshrl.u32 v47, $0x1;
	v24 =	vshra.s32 v22, $0x3;
	v22 =	vshrl.u32 v22, $0x1  }
0x38: {  	v54 =	vshra.s32 v23, $0x3;
	v23 =	vshrl.u32 v23, $0x1;
	v27 =	vshra.s32 v25, $0x3  }
0x39: {  	v25 =	vshrl.u32 v25, $0x1;
	v59 =	vshra.s32 v26, $0x3;
	v26 =	vshrl.u32 v26, $0x1  }
0x3a: {  	v28 =	vld [tilespmem:$0xD0];
	v10 =	vand.u32 $0xFFFFF800, v29;
	v11 =	vand.u32 $0x7FF, v30;
	v39 =	vshra.s32 v16, $0x3  }
0x3b: {  	v13 =	vld [tilespmem:$0x250];
	v41 =	vshrl.u32 v16, $0x1;
	v43 =	vand.u32 $0xFFFFF800, v42;
	v44 =	vand.u32 $0x7FF, v17  }
0x3c: {  	v14 =	vld [tilespmem:$0x60];
	v16 =	vand.u32 $0xFFFFF800, v45;
	v17 =	vand.u32 $0x7FF, v46;
	v18 =	vand.u32 $0x7FF, v18  }
0x3d: {  	v53 =	vand.u32 $0xFFFFF800, v24;
	v22 =	vand.u32 $0x7FF, v22;
	v55 =	vand.u32 $0xFFFFF800, v54  }
0x3e: {  	v23 =	vand.u32 $0x7FF, v23;
	v58 =	vand.u32 $0xFFFFF800, v27;
	v25 =	vand.u32 $0x7FF, v25  }
0x3f: {  	v62 =	vld [tilespmem:$0xE0];
	v60 =	vand.u32 $0xFFFFF800, v59;
	v26 =	vand.u32 $0x7FF, v26;
	v24 =	vshrl.u32 v57, $0x1  }
0x40: {  	v30 =	vshra.s32 v28, $0x3;
	v28 =	vshrl.u32 v28, $0x1;
	v31 =	vshra.s32 v13, $0x3  }
0x41: {  	v19 =	vld [tilespmem:$0x280];
	v10 =	vor.u32 v11, v10;
	v33 =	vshrl.u32 v13, $0x1;
	v34 =	vshra.s32 v14, $0x3  }
0x42: {  	v20 =	vld [tilespmem:$0x90];
	v14 =	vshrl.u32 v14, $0x1;
	v13 =	vand.u32 $0xFFFFF800, v37;
	v40 =	vand.u32 $0xFFFFF800, v39  }
0x43: {  	v15 =	vand.u32 $0x7FF, v41;
	v16 =	vor.u32 v17, v16;
	v24 =	vand.u32 $0x7FF, v24  }
0x44: {  	v63 =	vand.u32 $0xFFFFF800, v30;
	v39 =	vshrl.u32 v62, $0x1;
	v32 =	vand.u32 $0xFFFFF800, v31  }
0x45: {  	v12 =	vand.u32 $0x7FF, v33;
	v35 =	vand.u32 $0xFFFFF800, v34;
	v36 =	vand.u32 $0x7FF, v14  }
0x46: {  	v14 =	vand.u32 $0x7FF, v38;
	v15 =	vor.u32 v15, v40;
	v21 =	vshra.s32 v19, $0x3  }
0x47: {  	v19 =	vshrl.u32 v19, $0x1;
	v49 =	vshra.s32 v20, $0x3;
	v20 =	vshrl.u32 v20, $0x1  }
0x48: {  	v33 =	vand.u32 $0x7FF, v28;
	v38 =	vshra.s32 v62, $0x3;
	v42 =	vand.u32 $0x7FF, v39  }
0x49: {  	v12 =	vor.u32 v12, v32;
	v11 =	vor.u32 v36, v35;
	v13 =	vor.u32 v14, v13  }
0x4a: {  	v29 =	vld [tilespmem:$0x2D0];
	v14 =	vor.u32 v44, v43;
	v48 =	vand.u32 $0xFFFFF800, v21;
	v19 =	vand.u32 $0x7FF, v19  }
0x4b: {  	v54 =	vld [tilespmem:$0x110];
	v50 =	vand.u32 $0xFFFFF800, v49;
	v20 =	vand.u32 $0x7FF, v20;
	v21 =	vshrl.u32 v52, $0x1  }
0x4c: {  	[tilespmem:$0x400] =	vst v0;
	v0 =	vor.u32 v33, v63;
	v41 =	vand.u32 $0xFFFFF800, v38;
	v19 =	vor.u32 v19, v48  }
0x4d: {  	v17 =	vor.u32 v20, v50;
	v20 =	vand.u32 $0xFFFFF800, v51;
	v21 =	vand.u32 $0x7FF, v21  }
0x4e: {  	[tilespmem:$0x610] =	vst v2;
	v30 =	vld [tilespmem:$0x130];
	v2 =	vor.u32 v42, v41;
	v18 =	vor.u32 v18, v20;
	v20 =	vor.u32 v22, v53  }
0x4f: {  	[tilespmem:$0x630] =	vst v7;
	v31 =	vld [tilespmem:$0x2E0];
	v22 =	vor.u32 v23, v55;
	v23 =	vand.u32 $0xFFFFF800, v56;
	v34 =	vshra.s32 v29, $0x3  }
0x50: {  	v40 =	vld [tilespmem:$0x2F0];
	[tilespmem:$0x650] =	vst v12;
	v29 =	vshrl.u32 v29, $0x1;
	v12 =	vshra.s32 v54, $0x3;
	v7 =	vshrl.u32 v54, $0x1  }
0x51: {  	v28 =	vld [tilespmem:$0x320];
	v21 =	vor.u32 v21, v23;
	v23 =	vor.u32 v25, v58;
	v25 =	vor.u32 v26, v60  }
0x52: {  	v39 =	vld [tilespmem:$0x140];
	v26 =	vand.u32 $0xFFFFF800, v61;
	v36 =	vand.u32 $0xFFFFF800, v34;
	v37 =	vand.u32 $0x7FF, v29  }
0x53: {  	[tilespmem:$0x440] =	vst v9;
	v35 =	vld [tilespmem:$0xF0];
	v9 =	vand.u32 $0xFFFFF800, v12;
	v7 =	vand.u32 $0x7FF, v7;
	v12 =	vshrl.u32 v30, $0x1  }
0x54: {  	[tilespmem:$0x600] =	vst v1;
	v44 =	vld [tilespmem:$0x100];
	v24 =	vor.u32 v24, v26;
	v1 =	vor.u32 v37, v36;
	v43 =	vshra.s32 v31, $0x3  }
0x55: {  	[tilespmem:$0x620] =	vst v6;
	v49 =	vld [tilespmem:$0x300];
	v46 =	vshrl.u32 v31, $0x1;
	v52 =	vshra.s32 v40, $0x3;
	v53 =	vshrl.u32 v40, $0x1  }
0x56: {  	[tilespmem:$0x450] =	vst v10;
	v7 =	vor.u32 v7, v9;
	v38 =	vshra.s32 v28, $0x3;
	v10 =	vshrl.u32 v28, $0x1  }
0x57: {  	[tilespmem:$0x670] =	vst v14;
	v40 =	vshra.s32 v30, $0x3;
	v12 =	vand.u32 $0x7FF, v12;
	v14 =	vshrl.u32 v39, $0x1  }
0x58: {  	[tilespmem:$0x420] =	vst v4;
	v45 =	vand.u32 $0xFFFFF800, v43;
	v4 =	vand.u32 $0x7FF, v46;
	v47 =	vshra.s32 v35, $0x3  }
0x59: {  	[tilespmem:$0x430] =	vst v5;
	v48 =	vshrl.u32 v35, $0x1;
	v5 =	vand.u32 $0xFFFFF800, v52;
	v6 =	vand.u32 $0x7FF, v53  }
0x5a: {  	[tilespmem:$0x640] =	vst v8;
	v55 =	vshra.s32 v44, $0x3;
	v58 =	vshrl.u32 v44, $0x1;
	v59 =	vshra.s32 v49, $0x3  }
0x5b: {  	[tilespmem:$0x660] =	vst v13;
	v41 =	vld [tilespmem:$0x340];
	v60 =	vshrl.u32 v49, $0x1;
	v13 =	vand.u32 $0xFFFFF800, v38;
	v10 =	vand.u32 $0x7FF, v10  }
0x5c: {  	[tilespmem:$0x410] =	vst v3;
	v42 =	vand.u32 $0xFFFFF800, v40;
	v46 =	vshra.s32 v39, $0x3;
	v14 =	vand.u32 $0x7FF, v14  }
0x5d: {  	[tilespmem:$0x480] =	vst v16;
	v56 =	vld [tilespmem:$0x310];
	v3 =	vor.u32 v4, v45;
	v50 =	vand.u32 $0xFFFFF800, v47;
	v51 =	vand.u32 $0x7FF, v48  }
0x5e: {  	[tilespmem:$0x470] =	vst v15;
	v61 =	vld [tilespmem:$0x120];
	v5 =	vor.u32 v6, v5;
	v57 =	vand.u32 $0xFFFFF800, v55;
	v8 =	vand.u32 $0x7FF, v58  }
0x5f: {  	[tilespmem:$0x460] =	vst v11;
	v26 =	vld [tilespmem:$0x180];
	v62 =	vand.u32 $0xFFFFF800, v59;
	v63 =	vand.u32 $0x7FF, v60;
	v10 =	vor.u32 v10, v13  }
0x60: {  	[tilespmem:$0x490] =	vst v17;
	v35 =	vld [tilespmem:$0x330];
	v12 =	vor.u32 v12, v42;
	v48 =	vshra.s32 v41, $0x3;
	v17 =	vshrl.u32 v41, $0x1  }
0x61: {  	[tilespmem:$0x4D0] =	vst v0;
	v44 =	vld [tilespmem:$0x150];
	v4 =	vor.u32 v51, v50;
	v6 =	vor.u32 v8, v57;
	v8 =	vor.u32 v63, v62  }
0x62: {  	[tilespmem:$0x680] =	vst v19;
	v49 =	vld [tilespmem:$0x160];
	v29 =	vshra.s32 v56, $0x3;
	v32 =	vshrl.u32 v56, $0x1;
	v50 =	vand.u32 $0xFFFFF800, v48  }
0x63: {  	[tilespmem:$0x4E0] =	vst v2;
	v52 =	vld [tilespmem:$0x360];
	v17 =	vand.u32 $0x7FF, v17;
	v31 =	vand.u32 $0xFFFFF800, v29;
	v11 =	vand.u32 $0x7FF, v32  }
0x64: {  	[tilespmem:$0x690] =	vst v18;
	v38 =	vld [tilespmem:$0x390];
	v33 =	vshra.s32 v61, $0x3;
	v34 =	vshrl.u32 v61, $0x1;
	v53 =	vor.u32 v17, v50  }
0x65: {  	[tilespmem:$0x4A0] =	vst v20;
	v9 =	vor.u32 v11, v31;
	v36 =	vand.u32 $0xFFFFF800, v33;
	v37 =	vand.u32 $0x7FF, v34  }
0x66: {  	[tilespmem:$0x6A0] =	vst v22;
	v47 =	vld [tilespmem:$0x350];
	v11 =	vor.u32 v37, v36;
	v43 =	vshra.s32 v35, $0x3;
	v15 =	vshrl.u32 v35, $0x1  }
0x67: {  	[tilespmem:$0x4C0] =	vst v25;
	v51 =	vshra.s32 v44, $0x3;
	v18 =	vshrl.u32 v44, $0x1;
	v61 =	vshra.s32 v49, $0x3  }
0x68: {  	[tilespmem:$0x6C0] =	vst v24;
	v58 =	vld [tilespmem:$0x170];
	v22 =	vshrl.u32 v49, $0x1;
	v24 =	vshra.s32 v52, $0x3;
	v25 =	vshrl.u32 v52, $0x1  }
0x69: {  	[tilespmem:$0x4B0] =	vst v21;
	v36 =	vshra.s32 v26, $0x3;
	v37 =	vshrl.u32 v26, $0x1;
	v48 =	vshra.s32 v38, $0x3  }
0x6a: {  	[tilespmem:$0x6B0] =	vst v23;
	v49 =	vshrl.u32 v38, $0x1;
	v45 =	vand.u32 $0xFFFFF800, v43;
	v15 =	vand.u32 $0x7FF, v15  }
0x6b: {  	[tilespmem:$0x6D0] =	vst v1;
	v54 =	vand.u32 $0xFFFFF800, v51;
	v55 =	vand.u32 $0x7FF, v18;
	v57 =	vshra.s32 v47, $0x3  }
0x6c: {  	[tilespmem:$0x510] =	vst v7;
	v16 =	vshrl.u32 v47, $0x1;
	v63 =	vand.u32 $0xFFFFF800, v61;
	v23 =	vand.u32 $0x7FF, v22  }
0x6d: {  	v62 =	vld [tilespmem:$0x370];
	[tilespmem:$0x6E0] =	vst v3;
	v27 =	vand.u32 $0xFFFFF800, v24;
	v28 =	vand.u32 $0x7FF, v25;
	v29 =	vshra.s32 v58, $0x3  }
0x6e: {  	[tilespmem:$0x6F0] =	vst v5;
	v30 =	vshrl.u32 v58, $0x1;
	v39 =	vand.u32 $0xFFFFF800, v36;
	v40 =	vand.u32 $0x7FF, v37  }
0x6f: {  	[tilespmem:$0x740] =	vst v53;
	v52 =	vand.u32 $0xFFFFF800, v48;
	v53 =	vand.u32 $0x7FF, v49;
	v13 =	vor.u32 v15, v45  }
0x70: {  	[tilespmem:$0x720] =	vst v10;
	v50 =	vld [tilespmem:$0x1B0];
	v15 =	vand.u32 $0xFFFFF800, v46;
	v56 =	vor.u32 v55, v54;
	v59 =	vand.u32 $0xFFFFF800, v57  }
0x71: {  	[tilespmem:$0x4F0] =	vst v4;
	v31 =	vld [tilespmem:$0x380];
	v60 =	vand.u32 $0x7FF, v16;
	v3 =	vor.u32 v23, v63;
	v4 =	vor.u32 v28, v27  }
0x72: {  	[tilespmem:$0x500] =	vst v6;
	v33 =	vld [tilespmem:$0x190];
	v5 =	vand.u32 $0xFFFFF800, v29;
	v6 =	vand.u32 $0x7FF, v30;
	v32 =	vshra.s32 v62, $0x3  }
0x73: {  	[tilespmem:$0x530] =	vst v12;
	v35 =	vshrl.u32 v62, $0x1;
	v54 =	vor.u32 v53, v52;
	v14 =	vor.u32 v14, v15  }
0x74: {  	[tilespmem:$0x700] =	vst v8;
	v2 =	vor.u32 v60, v59;
	v5 =	vor.u32 v6, v5;
	v34 =	vand.u32 $0xFFFFF800, v32  }
0x75: {  	[tilespmem:$0x710] =	vst v9;
	v43 =	vld [tilespmem:$0x1A0];
	v7 =	vand.u32 $0x7FF, v35;
	v16 =	vshra.s32 v50, $0x3;
	v17 =	vshrl.u32 v50, $0x1  }
0x76: {  	[tilespmem:$0x520] =	vst v11;
	v18 =	vld [tilespmem:$0x3C0];
	v6 =	vor.u32 v7, v34;
	v7 =	vor.u32 v40, v39;
	v41 =	vshra.s32 v31, $0x3  }
0x77: {  	v25 =	vld [tilespmem:$0x3D0];
	[tilespmem:$0x730] =	vst v13;
	v42 =	vshrl.u32 v31, $0x1;
	v44 =	vshra.s32 v33, $0x3;
	v47 =	vshrl.u32 v33, $0x1  }
0x78: {  	v36 =	vld [tilespmem:$0x3E0];
	[tilespmem:$0x550] =	vst v56;
	v19 =	vand.u32 $0xFFFFF800, v16;
	v20 =	vand.u32 $0x7FF, v17;
	v8 =	vand.u32 $0xFFFFF800, v41  }
0x79: {  	v45 =	vld [tilespmem:$0x3A0];
	[tilespmem:$0x560] =	vst v3;
	v9 =	vand.u32 $0x7FF, v42;
	v46 =	vand.u32 $0xFFFFF800, v44;
	v11 =	vand.u32 $0x7FF, v47  }
0x7a: {  	v23 =	vld [tilespmem:$0x1D0];
	[tilespmem:$0x760] =	vst v4;
	v4 =	vor.u32 v20, v19;
	v8 =	vor.u32 v9, v8;
	v51 =	vor.u32 v11, v46  }
0x7b: {  	[tilespmem:$0x790] =	vst v54;
	v55 =	vshra.s32 v43, $0x3;
	v10 =	vshrl.u32 v43, $0x1;
	v29 =	vshra.s32 v18, $0x3  }
0x7c: {  	[tilespmem:$0x540] =	vst v14;
	v30 =	vshrl.u32 v18, $0x1;
	v38 =	vshra.s32 v25, $0x3;
	v41 =	vshrl.u32 v25, $0x1  }
0x7d: {  	v56 =	vld [tilespmem:$0x3B0];
	[tilespmem:$0x750] =	vst v2;
	v49 =	vshra.s32 v36, $0x3;
	v50 =	vshrl.u32 v36, $0x1;
	v57 =	vand.u32 $0xFFFFF800, v55  }
0x7e: {  	v60 =	vld [tilespmem:$0x1C0];
	[tilespmem:$0x570] =	vst v5;
	v58 =	vand.u32 $0x7FF, v10;
	v59 =	vshra.s32 v45, $0x3;
	v62 =	vshrl.u32 v45, $0x1  }
0x7f: {  	[tilespmem:$0x770] =	vst v6;
	v32 =	vand.u32 $0xFFFFF800, v29;
	v33 =	vand.u32 $0x7FF, v30;
	v34 =	vshra.s32 v23, $0x3  }
0x80: {  	[tilespmem:$0x5B0] =	vst v4;
	v35 =	vshrl.u32 v23, $0x1;
	v40 =	vand.u32 $0xFFFFF800, v38;
	v4 =	vand.u32 $0x7FF, v41  }
0x81: {  	[tilespmem:$0x590] =	vst v51;
	v51 =	vand.u32 $0xFFFFF800, v49;
	v52 =	vand.u32 $0x7FF, v50;
	v2 =	vor.u32 v58, v57  }
0x82: {  	v31 =	vld [tilespmem:$0x1E0];
	[tilespmem:$0x580] =	vst v7;
	v61 =	vand.u32 $0xFFFFF800, v59;
	v63 =	vand.u32 $0x7FF, v62;
	v21 =	vshra.s32 v56, $0x3  }
0x83: {  	v39 =	vld [tilespmem:$0x1F0];
	[tilespmem:$0x780] =	vst v8;
	v22 =	vshrl.u32 v56, $0x1;
	v24 =	vshra.s32 v60, $0x3;
	v27 =	vshrl.u32 v60, $0x1  }
0x84: {  	v1 =	vor.u32 v33, v32;
	v37 =	vand.u32 $0x7FF, v35;
	v45 =	vor.u32 v4, v40;
	[tilespmem:$0x5A0] =	vst v2  }
0x85: {  	v54 =	vor.u32 v52, v51;
	v3 =	vor.u32 v63, v61;
	v5 =	vand.u32 $0xFFFFF800, v21;
	[tilespmem:$0x7C0] =	vst v1  }
0x86: {  	v44 =	vld [tilespmem:$0x3F0];
	v6 =	vand.u32 $0x7FF, v22;
	v26 =	vand.u32 $0xFFFFF800, v24;
	v28 =	vand.u32 $0x7FF, v27;
	[tilespmem:$0x7D0] =	vst v45  }
0x87: {  	v2 =	vand.u32 $0xFFFFF800, v34;
	v42 =	vshra.s32 v31, $0x3;
	v43 =	vshrl.u32 v31, $0x1;
	[tilespmem:$0x7E0] =	vst v54  }
0x88: {  	v53 =	vshra.s32 v39, $0x3;
	v56 =	vshrl.u32 v39, $0x1;
	v5 =	vor.u32 v6, v5;
	[tilespmem:$0x7A0] =	vst v3  }
0x89: {  	v0 =	vor.u32 v28, v26;
	v2 =	vor.u32 v37, v2;
	v46 =	vand.u32 $0xFFFFF800, v42;
	[tilespmem:$0x7B0] =	vst v5  }
0x8a: {  	v47 =	vand.u32 $0x7FF, v43;
	v55 =	vand.u32 $0xFFFFF800, v53;
	v57 =	vand.u32 $0x7FF, v56;
	[tilespmem:$0x5C0] =	vst v0  }
0x8b: {  	v58 =	vshra.s32 v44, $0x3;
	v59 =	vshrl.u32 v44, $0x1;
	v48 =	vor.u32 v47, v46;
	[tilespmem:$0x5D0] =	vst v2  }
0x8c: {  	v60 =	vor.u32 v57, v55;
	v61 =	vand.u32 $0xFFFFF800, v58;
	v62 =	vand.u32 $0x7FF, v59;
	[tilespmem:$0x5E0] =	vst v48  }
0x8d: {  	[tilespmem:$0x5F0] =	vst v60;
	v63 =	vor.u32 v62, v61  }
0x8e: {  	[tilespmem:$0x7F0] =	vst v63  }
0x8f: {  	[tilespmem:s16], [sflag:$0x1] =	stream.indirect.gather [hbm4b:s3+s14], $0x80, s15, s14, $0xb8;
	[tilespmem:$0x10800] =	vst v63  }
0x90: {  	_ = 	snop  }
0x91: {  	[tilespmem:s18], [sflag:$0x2] =	stream.indirect.gather [hbm4b:s4+s14], $0x80, s17, s14, $0xb8;
	[tilespmem:$0x10800] =	vst v63  }
0x92: {  	_ =	swait.ge [sflag:s19], $0x8000  }
0x93: {  	[sflag:s19] =	ssyncset.done $0x0  }
0x94: {  	[sflag:s19] =	ssyncadd.s32 $0xFFFF8000  }
0x95: {  	[hbm4b:s7+s1] =	stream.linear.scatter [tilespmem:s16], [sflag:$0x3], $0x8000, $0x38;
	[tilespmem:$0x10800] =	vst v63  }
0x96: {  	_ =	swait.ge [sflag:s12], $0x8000  }
0x97: {  	[sflag:s12] =	ssyncset.done $0x0  }
0x98: {  	[sflag:s12] =	ssyncadd.s32 $0xFFFF8000  }
0x99: {  	_ =	swait.ge [sflag:s20], $0x8000  }
0x9a: {  	[sflag:s20] =	ssyncset.done $0x0  }
0x9b: {  	[sflag:s20] =	ssyncadd.s32 $0xFFFF8000  }
0x9c: {  	[hbm4b:s8+s1] =	stream.linear.scatter [tilespmem:s18], [sflag:$0x3], $0x8000, $0x38;
	[tilespmem:$0x10800] =	vst v63  }
0x9d: {  	_ =	swait.ge [sflag:s12], $0x8000  }
0x9e: {  	[sflag:s12] =	ssyncset.done $0x0  }
0x9f: {  	[sflag:s12] =	ssyncadd.s32 $0xFFFF8000  }
0xa0: {  	[tilespmem:s16], [sflag:$0x1] =	stream.indirect.gather [hbm4b:s3+s14], $0x80, s21, s14, $0xb8;
	[tilespmem:$0x10800] =	vst v63  }
0xa1: {  	_ = 	snop  }
0xa2: {  	[tilespmem:s18], [sflag:$0x2] =	stream.indirect.gather [hbm4b:s4+s14], $0x80, s22, s14, $0xb8;
	[tilespmem:$0x10800] =	vst v63  }
0xa3: {  	_ =	swait.ge [sflag:s19], $0x8000  }
0xa4: {  	[sflag:s19] =	ssyncset.done $0x0  }
0xa5: {  	[sflag:s19] =	ssyncadd.s32 $0xFFFF8000  }
0xa6: {  	[hbm4b:s9+s1] =	stream.linear.scatter [tilespmem:s16], [sflag:$0x3], $0x8000, $0x38;
	[tilespmem:$0x10800] =	vst v63  }
0xa7: {  	_ =	swait.ge [sflag:s12], $0x8000  }
0xa8: {  	[sflag:s12] =	ssyncset.done $0x0  }
0xa9: {  	[sflag:s12] =	ssyncadd.s32 $0xFFFF8000  }
0xaa: {  	_ =	swait.ge [sflag:s20], $0x8000  }
0xab: {  	p0 =	sne.s32 s11, $0x1;
	[sflag:s20] =	ssyncset.done $0x0  }
.Ltmp0:
0xac: {  	[sflag:s20] =	ssyncadd.s32 $0xFFFF8000;
	(pc) =	sbr.rel @p0 .LBB2_1-.Ltmp0, $4  }
0xad: {  	[hbm4b:s10+s1] =	stream.linear.scatter [tilespmem:s18], [sflag:$0x3], $0x8000, $0x38;
	[tilespmem:$0x10800] =	vst v63  }
0xae: {  	_ =	swait.ge [sflag:s12], $0x8000  }
0xaf: {  	[sflag:s12] =	ssyncset.done $0x0  }
0xb0: {  	s11 =	sadd.s32 $0xFFFFFFFF, s11;
	[sflag:s12] =	ssyncadd.s32 $0xFFFF8000  }
0xb1: {  	_ =	sfence.sel $0x180000  }
0xb2: {  	[bflag:$0x0] =	sbarrier.arrive $0xFFFF  }
0xb3: {  	p0 =	sne.s32 s2, $0x0;
	_ =	strace $0x90000047  }
0xb4: {  	s0 =	sadd.s32 @!p0 $0x100000, s0;
	[bflag:$0x2] =	sbarrier.arrive $0xFFFF  }
0xb5: {  	[sflag:s0] =	ssyncadd.tile.s32 @!p0 $0x1;
	_ =	shalt  }
.Lfunc_end2:
_tile_overlayer_lowered:
.L_overlay_start_2:
0xb6: {  	(tag) =	ssettag $0x2  }
0xb7: {  	s0 =	rddreg [dreg:$0x0];
	s2 =	stileid.u32  }
0xb8: {  	s1 =	rddreg [dreg:$0x1];
	p0 =	sne.s32 s2, $0x0  }
0xb9: {  	s3 =	rddreg [dreg:$0x2];
	[bflag:$0x3] =	sbarrier.arrive $0xFFFF;
	s2 =	simm.s32 @!p0 $0x1C03  }
0xba: {  	[timem:s3], [sflag:s2] =	dma.local @!p0 [hbm:s0], s1  }
0xbb: {  	s0 =	simm.s32 @!p0 $0x3  }
0xbc: {  	_ =	swait.ge @!p0 [sflag:s0], s1  }
0xbd: {  	s1 =	ssub.s32 @!p0 $0x0, s1;
	[sflag:s0] =	ssyncset.done @!p0 $0x0  }
0xbe: {  	[sflag:s0] =	ssyncadd.s32 @!p0 s1  }
0xbf: {  	[bflag:$0x3] =	sbarrier.arrive $0xFFFF  }
0xc0: {  	_ =	shalt  }

</sc_bundles>
